<compile_context>
chip_gen: v7x
topology: tpu7x:2x2x1
jax: 0.10.2.dev20260603
libtpu: 0.0.44.dev20260713+nightly
codegen_flags: <defaults>
</compile_context>

<pallas_src>
import functools

import jax
import jax.numpy as jnp
from jax import lax
from jax.experimental import pallas as pl
from jax.experimental.pallas import tpu as pltpu
from jax.experimental.pallas import tpu_sc as plsc

NC = 2
NS = 16
NW = NC * NS
L = 16
U = 4
U2 = 8


def _mesh():
    return plsc.VectorSubcoreMesh(
        core_axis_name="c", subcore_axis_name="s", num_cores=NC, num_subcores=NS
    )


NB = 4


@functools.lru_cache(maxsize=None)
def _ghm_kernel(n, bins):
    slice_n = n // NS
    half = slice_n // NC
    chunk = slice_n // NB
    groups2 = half // L

    @functools.partial(
        pl.kernel,
        out_type=jax.ShapeDtypeStruct((1,), jnp.float32),
        mesh=_mesh(),
        compiler_params=pltpu.CompilerParams(needs_layout_passes=False),
        scratch_types=[
            pltpu.VMEM((slice_n,), jnp.float32),
            pltpu.VMEM((slice_n,), jnp.float32),
            pltpu.VMEM_SHARED((NS * L,), jnp.float32),
            pltpu.VMEM((NS * L,), jnp.float32),
            pltpu.VMEM((bins,), jnp.float32),
            pltpu.VMEM((L,), jnp.float32),
            pltpu.VMEM((L,), jnp.float32),
        ] + [pltpu.SemaphoreType.DMA] * (2 * NB),
    )
    def kghm(pred_hbm, target_hbm, dens_hbm, out_hbm,
             pred_v, target_v, pmax_sh, pmax_l, dens_v, wtab_v, mx_v, *sems):
        c = lax.axis_index("c")
        s = lax.axis_index("s")
        base = s * slice_n
        copies = []
        for k in range(NB):
            o = k * chunk
            copies.append((
                pltpu.async_copy(pred_hbm.at[pl.ds(base + o, chunk)],
                                 pred_v.at[pl.ds(o, chunk)], sems[2 * k]),
                pltpu.async_copy(target_hbm.at[pl.ds(base + o, chunk)],
                                 target_v.at[pl.ds(o, chunk)], sems[2 * k + 1]),
            ))
        pltpu.sync_copy(dens_hbm, dens_v)

        z = jnp.zeros((L,), jnp.float32)

        def body1(i, ms):
            o = i * (U * L)
            out = []
            for u in range(U):
                p = pred_v[pl.ds(o + u * L, L)]
                t = target_v[pl.ds(o + u * L, L)]
                out.append(jnp.maximum(ms[u], jnp.abs(p - t)))
            return tuple(out)

        ms = (z,) * U
        for k in range(NB):
            copies[k][0].wait()
            copies[k][1].wait()
            lo = k * chunk // (U * L)
            ms = lax.fori_loop(lo, lo + chunk // (U * L), body1, ms)
        m = jnp.maximum(jnp.maximum(ms[0], ms[1]), jnp.maximum(ms[2], ms[3]))

        mx_v[...] = m
        pltpu.sync_copy(mx_v, pmax_sh.at[pl.ds(s * L, L)])
        plsc.subcore_barrier()
        pltpu.sync_copy(pmax_sh, pmax_l)

        def bodym(i, mm):
            return jnp.maximum(mm, pmax_l[pl.ds(i * L, L)])

        m = lax.fori_loop(0, NS, bodym, z)

        lane = lax.iota(jnp.int32, L)
        for stride in (8, 4, 2, 1):
            mx_v[...] = m
            m = jnp.maximum(m, plsc.load_gather(mx_v, [lane ^ stride]))
        scale_v = (bins - 1.0) / m

        g = plsc.load_gather(dens_v, [jnp.minimum(lane, bins - 1)])
        wtab_v[...] = 1.0 / (g + 1e-6)

        def body2(i, accs):
            o = i * (U2 * L)
            out = []
            for u in range(U2):
                p = pred_v[pl.ds(o + u * L, L)]
                t = target_v[pl.ds(o + u * L, L)]
                d = p - t
                idx = (jnp.abs(d) * scale_v).astype(jnp.int32)
                idx = jnp.clip(idx, 0, bins - 1)
                w = plsc.load_gather(wtab_v, [idx])
                out.append(accs[u] + w * d * d)
            return tuple(out)

        accs = lax.fori_loop(0, NC * groups2 // U2, body2, (z,) * U2)
        acc = z
        for u in range(U2):
            acc = acc + accs[u]

        mx_v[...] = acc
        pltpu.sync_copy(mx_v, pmax_sh.at[pl.ds(s * L, L)])
        plsc.subcore_barrier()

        @pl.when(jnp.logical_and(c == 0, s == 0))
        def _():
            pltpu.sync_copy(pmax_sh, pmax_l)

            def bodys(i, a):
                return a + pmax_l[pl.ds(i * L, L)]

            a = lax.fori_loop(0, NS, bodys, z)
            for stride in (8, 4, 2, 1):
                wtab_v[...] = a
                a = a + plsc.load_gather(wtab_v, [lane ^ stride])
            mx_v[...] = a * (1.0 / n)
            pltpu.sync_copy(mx_v.at[pl.ds(0, 1)], out_hbm)

    return kghm


def kernel(pred, target, gradient_hist, grad_density):
    del gradient_hist
    n = pred.shape[0]
    bins = grad_density.shape[0]
    parts = _ghm_kernel(n, bins)(pred, target, grad_density)
    return parts.reshape(())

# --- scband reference (transcript-rebuilt; emitter-appended) ---
"""Pipeline reference for scband-ghmcloss-30751965839586 (READ-ONLY COPY).

The authoritative reference and input builder live on the scoring server;
editing this copy changes nothing except your own understanding.
"""

import jax, jax.numpy as jnp
import numpy as np


def setup_inputs(seed: int = 0) -> dict:
    key = jax.random.key(seed)
    k1, k2 = jax.random.split(key)
    N = 262144
    bins = 10
    pred = jax.random.normal(k1, (N,), dtype=jnp.float32)
    target = jax.random.normal(k2, (N,), dtype=jnp.float32)
    # registered buffers from __init__
    gradient_hist = jnp.zeros((bins,), dtype=jnp.float32)
    grad_density = jnp.ones((bins,), dtype=jnp.float32)
    return {"pred": pred, "target": target, "gradient_hist": gradient_hist, "grad_density": grad_density}


def reference(pred, target, gradient_hist, grad_density):
    bins = grad_density.shape[0]
    # gradient = |pred - target|, detached
    gradient = jax.lax.stop_gradient(jnp.abs(pred - target))
    bin_indices = (gradient / gradient.max() * (bins - 1)).astype(jnp.int32)
    bin_indices = jnp.clip(bin_indices, 0, bins - 1)
    # per-element weight = 1 / (grad_density[bin_idx] + 1e-6)  (vectorized gather
    # replacing the original per-element Python loop)
    weights = 1.0 / (jnp.take(grad_density, bin_indices) + 1e-06)
    # buffer updates (stateful in torch; computed here for faithfulness,
    # they do not affect the returned loss of this call)
    new_hist = gradient_hist + jnp.bincount(bin_indices, length=bins).astype(jnp.float32)
    new_density = new_hist / new_hist.sum()
    del new_density
    mse = (pred - target) ** 2
    loss = (weights * mse).mean()
    return loss

if __name__ == "__main__":
    import jax
    _d = setup_inputs()
    print(jax.jit(kernel)(*tuple(_d.values())))

</pallas_src>

<mosaic_0001>
#map = affine_map<(d0, d1) -> (0)>
module attributes {stable_mosaic.version = 14 : i64} {
  func.func @kghm(%arg0: i32, %arg1: i32, %arg2: memref<262144xf32, #tpu.memory_space<hbm>>, %arg3: memref<262144xf32, #tpu.memory_space<hbm>>, %arg4: memref<10xf32, #tpu.memory_space<hbm>>, %arg5: memref<1xf32, #tpu.memory_space<hbm>>, %arg6: memref<16384xf32, #tpu.memory_space<vmem>>, %arg7: memref<16384xf32, #tpu.memory_space<vmem>>, %arg8: memref<256xf32, #tpu.memory_space<vmem_shared>>, %arg9: memref<256xf32, #tpu.memory_space<vmem>>, %arg10: memref<10xf32, #tpu.memory_space<vmem>>, %arg11: memref<16xf32, #tpu.memory_space<vmem>>, %arg12: memref<16xf32, #tpu.memory_space<vmem>>, %arg13: memref<!tpu.dma_semaphore, #tpu.memory_space<semaphore_mem>>, %arg14: memref<!tpu.dma_semaphore, #tpu.memory_space<semaphore_mem>>, %arg15: memref<!tpu.dma_semaphore, #tpu.memory_space<semaphore_mem>>, %arg16: memref<!tpu.dma_semaphore, #tpu.memory_space<semaphore_mem>>, %arg17: memref<!tpu.dma_semaphore, #tpu.memory_space<semaphore_mem>>, %arg18: memref<!tpu.dma_semaphore, #tpu.memory_space<semaphore_mem>>, %arg19: memref<!tpu.dma_semaphore, #tpu.memory_space<semaphore_mem>>, %arg20: memref<!tpu.dma_semaphore, #tpu.memory_space<semaphore_mem>>) attributes {dimension_semantics = [#tpu.dimension_semantics<core_parallel>, #tpu.dimension_semantics<subcore_parallel>], iteration_bounds = array<i64: 2, 16>, scalar_prefetch = 0 : i64, scratch_operands = 15 : i64, tpu.core_type = #tpu.core_type<sc_vector_subcore>, window_params = [{transform_indices = #map}, {transform_indices = #map}, {transform_indices = #map}, {transform_indices = #map}]} {
    %mul3A = arith.constant 16384 : i32
    %mul3A_0 = arith.muli %arg1, %mul3A : i32
    %add3A = arith.constant 0 : i32
    %add3A_1 = arith.addi %mul3A_0, %add3A : i32
    %dma_start3A = arith.constant 0 : i32
    %dma_start3A_2 = tpu.memref_slice %arg6[%dma_start3A] : memref<16384xf32, #tpu.memory_space<vmem>> -> memref<4096xf32, #tpu.memory_space<vmem>>
    %dma_start3A_3 = tpu.memref_slice %arg2[%add3A_1] : memref<262144xf32, #tpu.memory_space<hbm>> -> memref<4096xf32, #tpu.memory_space<hbm>>
    %dma_start3A_4 = arith.constant 0 : i32
    %dma_start3A_5 = tpu.memref_slice %arg6[%dma_start3A_4] : memref<16384xf32, #tpu.memory_space<vmem>> -> memref<4096xf32, #tpu.memory_space<vmem>>
    %dma_start3A_6 = tpu.memref_slice %arg2[%add3A_1] : memref<262144xf32, #tpu.memory_space<hbm>> -> memref<4096xf32, #tpu.memory_space<hbm>>
    tpu.enqueue_dma source(%dma_start3A_6 : memref<4096xf32, #tpu.memory_space<hbm>>) target(%dma_start3A_5 : memref<4096xf32, #tpu.memory_space<vmem>>) target_semaphore(%arg13 : memref<!tpu.dma_semaphore, #tpu.memory_space<semaphore_mem>>)
    %add3A_7 = arith.constant 0 : i32
    %add3A_8 = arith.addi %mul3A_0, %add3A_7 : i32
    %dma_start3A_9 = arith.constant 0 : i32
    %dma_start3A_10 = tpu.memref_slice %arg7[%dma_start3A_9] : memref<16384xf32, #tpu.memory_space<vmem>> -> memref<4096xf32, #tpu.memory_space<vmem>>
    %dma_start3A_11 = tpu.memref_slice %arg3[%add3A_8] : memref<262144xf32, #tpu.memory_space<hbm>> -> memref<4096xf32, #tpu.memory_space<hbm>>
    %dma_start3A_12 = arith.constant 0 : i32
    %dma_start3A_13 = tpu.memref_slice %arg7[%dma_start3A_12] : memref<16384xf32, #tpu.memory_space<vmem>> -> memref<4096xf32, #tpu.memory_space<vmem>>
    %dma_start3A_14 = tpu.memref_slice %arg3[%add3A_8] : memref<262144xf32, #tpu.memory_space<hbm>> -> memref<4096xf32, #tpu.memory_space<hbm>>
    tpu.enqueue_dma source(%dma_start3A_14 : memref<4096xf32, #tpu.memory_space<hbm>>) target(%dma_start3A_13 : memref<4096xf32, #tpu.memory_space<vmem>>) target_semaphore(%arg14 : memref<!tpu.dma_semaphore, #tpu.memory_space<semaphore_mem>>)
    %add3A_15 = arith.constant 4096 : i32
    %add3A_16 = arith.addi %mul3A_0, %add3A_15 : i32
    %dma_start3A_17 = arith.constant 4096 : i32
    %dma_start3A_18 = tpu.memref_slice %arg6[%dma_start3A_17] : memref<16384xf32, #tpu.memory_space<vmem>> -> memref<4096xf32, #tpu.memory_space<vmem>>
    %dma_start3A_19 = tpu.memref_slice %arg2[%add3A_16] : memref<262144xf32, #tpu.memory_space<hbm>> -> memref<4096xf32, #tpu.memory_space<hbm>>
    %dma_start3A_20 = arith.constant 4096 : i32
    %dma_start3A_21 = tpu.memref_slice %arg6[%dma_start3A_20] : memref<16384xf32, #tpu.memory_space<vmem>> -> memref<4096xf32, #tpu.memory_space<vmem>>
    %dma_start3A_22 = tpu.memref_slice %arg2[%add3A_16] : memref<262144xf32, #tpu.memory_space<hbm>> -> memref<4096xf32, #tpu.memory_space<hbm>>
    tpu.enqueue_dma source(%dma_start3A_22 : memref<4096xf32, #tpu.memory_space<hbm>>) target(%dma_start3A_21 : memref<4096xf32, #tpu.memory_space<vmem>>) target_semaphore(%arg15 : memref<!tpu.dma_semaphore, #tpu.memory_space<semaphore_mem>>)
    %add3A_23 = arith.constant 4096 : i32
    %add3A_24 = arith.addi %mul3A_0, %add3A_23 : i32
    %dma_start3A_25 = arith.constant 4096 : i32
    %dma_start3A_26 = tpu.memref_slice %arg7[%dma_start3A_25] : memref<16384xf32, #tpu.memory_space<vmem>> -> memref<4096xf32, #tpu.memory_space<vmem>>
    %dma_start3A_27 = tpu.memref_slice %arg3[%add3A_24] : memref<262144xf32, #tpu.memory_space<hbm>> -> memref<4096xf32, #tpu.memory_space<hbm>>
    %dma_start3A_28 = arith.constant 4096 : i32
    %dma_start3A_29 = tpu.memref_slice %arg7[%dma_start3A_28] : memref<16384xf32, #tpu.memory_space<vmem>> -> memref<4096xf32, #tpu.memory_space<vmem>>
    %dma_start3A_30 = tpu.memref_slice %arg3[%add3A_24] : memref<262144xf32, #tpu.memory_space<hbm>> -> memref<4096xf32, #tpu.memory_space<hbm>>
    tpu.enqueue_dma source(%dma_start3A_30 : memref<4096xf32, #tpu.memory_space<hbm>>) target(%dma_start3A_29 : memref<4096xf32, #tpu.memory_space<vmem>>) target_semaphore(%arg16 : memref<!tpu.dma_semaphore, #tpu.memory_space<semaphore_mem>>)
    %add3A_31 = arith.constant 8192 : i32
    %add3A_32 = arith.addi %mul3A_0, %add3A_31 : i32
    %dma_start3A_33 = arith.constant 8192 : i32
    %dma_start3A_34 = tpu.memref_slice %arg6[%dma_start3A_33] : memref<16384xf32, #tpu.memory_space<vmem>> -> memref<4096xf32, #tpu.memory_space<vmem>>
    %dma_start3A_35 = tpu.memref_slice %arg2[%add3A_32] : memref<262144xf32, #tpu.memory_space<hbm>> -> memref<4096xf32, #tpu.memory_space<hbm>>
    %dma_start3A_36 = arith.constant 8192 : i32
    %dma_start3A_37 = tpu.memref_slice %arg6[%dma_start3A_36] : memref<16384xf32, #tpu.memory_space<vmem>> -> memref<4096xf32, #tpu.memory_space<vmem>>
    %dma_start3A_38 = tpu.memref_slice %arg2[%add3A_32] : memref<262144xf32, #tpu.memory_space<hbm>> -> memref<4096xf32, #tpu.memory_space<hbm>>
    tpu.enqueue_dma source(%dma_start3A_38 : memref<4096xf32, #tpu.memory_space<hbm>>) target(%dma_start3A_37 : memref<4096xf32, #tpu.memory_space<vmem>>) target_semaphore(%arg17 : memref<!tpu.dma_semaphore, #tpu.memory_space<semaphore_mem>>)
    %add3A_39 = arith.constant 8192 : i32
    %add3A_40 = arith.addi %mul3A_0, %add3A_39 : i32
    %dma_start3A_41 = arith.constant 8192 : i32
    %dma_start3A_42 = tpu.memref_slice %arg7[%dma_start3A_41] : memref<16384xf32, #tpu.memory_space<vmem>> -> memref<4096xf32, #tpu.memory_space<vmem>>
    %dma_start3A_43 = tpu.memref_slice %arg3[%add3A_40] : memref<262144xf32, #tpu.memory_space<hbm>> -> memref<4096xf32, #tpu.memory_space<hbm>>
    %dma_start3A_44 = arith.constant 8192 : i32
    %dma_start3A_45 = tpu.memref_slice %arg7[%dma_start3A_44] : memref<16384xf32, #tpu.memory_space<vmem>> -> memref<4096xf32, #tpu.memory_space<vmem>>
    %dma_start3A_46 = tpu.memref_slice %arg3[%add3A_40] : memref<262144xf32, #tpu.memory_space<hbm>> -> memref<4096xf32, #tpu.memory_space<hbm>>
    tpu.enqueue_dma source(%dma_start3A_46 : memref<4096xf32, #tpu.memory_space<hbm>>) target(%dma_start3A_45 : memref<4096xf32, #tpu.memory_space<vmem>>) target_semaphore(%arg18 : memref<!tpu.dma_semaphore, #tpu.memory_space<semaphore_mem>>)
    %add3A_47 = arith.constant 12288 : i32
    %add3A_48 = arith.addi %mul3A_0, %add3A_47 : i32
    %dma_start3A_49 = arith.constant 12288 : i32
    %dma_start3A_50 = tpu.memref_slice %arg6[%dma_start3A_49] : memref<16384xf32, #tpu.memory_space<vmem>> -> memref<4096xf32, #tpu.memory_space<vmem>>
    %dma_start3A_51 = tpu.memref_slice %arg2[%add3A_48] : memref<262144xf32, #tpu.memory_space<hbm>> -> memref<4096xf32, #tpu.memory_space<hbm>>
    %dma_start3A_52 = arith.constant 12288 : i32
    %dma_start3A_53 = tpu.memref_slice %arg6[%dma_start3A_52] : memref<16384xf32, #tpu.memory_space<vmem>> -> memref<4096xf32, #tpu.memory_space<vmem>>
    %dma_start3A_54 = tpu.memref_slice %arg2[%add3A_48] : memref<262144xf32, #tpu.memory_space<hbm>> -> memref<4096xf32, #tpu.memory_space<hbm>>
    tpu.enqueue_dma source(%dma_start3A_54 : memref<4096xf32, #tpu.memory_space<hbm>>) target(%dma_start3A_53 : memref<4096xf32, #tpu.memory_space<vmem>>) target_semaphore(%arg19 : memref<!tpu.dma_semaphore, #tpu.memory_space<semaphore_mem>>)
    %add3A_55 = arith.constant 12288 : i32
    %add3A_56 = arith.addi %mul3A_0, %add3A_55 : i32
    %dma_start3A_57 = arith.constant 12288 : i32
    %dma_start3A_58 = tpu.memref_slice %arg7[%dma_start3A_57] : memref<16384xf32, #tpu.memory_space<vmem>> -> memref<4096xf32, #tpu.memory_space<vmem>>
    %dma_start3A_59 = tpu.memref_slice %arg3[%add3A_56] : memref<262144xf32, #tpu.memory_space<hbm>> -> memref<4096xf32, #tpu.memory_space<hbm>>
    %dma_start3A_60 = arith.constant 12288 : i32
    %dma_start3A_61 = tpu.memref_slice %arg7[%dma_start3A_60] : memref<16384xf32, #tpu.memory_space<vmem>> -> memref<4096xf32, #tpu.memory_space<vmem>>
    %dma_start3A_62 = tpu.memref_slice %arg3[%add3A_56] : memref<262144xf32, #tpu.memory_space<hbm>> -> memref<4096xf32, #tpu.memory_space<hbm>>
    tpu.enqueue_dma source(%dma_start3A_62 : memref<4096xf32, #tpu.memory_space<hbm>>) target(%dma_start3A_61 : memref<4096xf32, #tpu.memory_space<vmem>>) target_semaphore(%arg20 : memref<!tpu.dma_semaphore, #tpu.memory_space<semaphore_mem>>)
    "tpu.region"() ({
      %run_scoped3A = tpu.sem_alloc : memref<!tpu.dma_semaphore, #tpu.memory_space<semaphore_mem>>
      tpu.enqueue_dma source(%arg4 : memref<10xf32, #tpu.memory_space<hbm>>) target(%arg10 : memref<10xf32, #tpu.memory_space<vmem>>) target_semaphore(%run_scoped3A : memref<!tpu.dma_semaphore, #tpu.memory_space<semaphore_mem>>)
      tpu.wait_dma2 semaphore(%run_scoped3A : memref<!tpu.dma_semaphore, #tpu.memory_space<semaphore_mem>>) src(%arg4 : memref<10xf32, #tpu.memory_space<hbm>>) dst(%arg10 : memref<10xf32, #tpu.memory_space<vmem>>)
      tpu.yield
    }) : () -> ()
    %broadcast_in_dim3A = arith.constant 0.000000e+00 : f32
    %broadcast_in_dim3A_63 = vector.broadcast %broadcast_in_dim3A : f32 to vector<16xf32>
    %dma_wait3A = arith.constant 0 : i32
    %dma_wait3A_64 = tpu.memref_slice %arg6[%dma_wait3A] : memref<16384xf32, #tpu.memory_space<vmem>> -> memref<4096xf32, #tpu.memory_space<vmem>>
    %dma_wait3A_65 = tpu.memref_slice %arg2[%add3A_1] : memref<262144xf32, #tpu.memory_space<hbm>> -> memref<4096xf32, #tpu.memory_space<hbm>>
    %dma_wait3A_66 = arith.constant 0 : i32
    %dma_wait3A_67 = tpu.memref_slice %arg6[%dma_wait3A_66] : memref<16384xf32, #tpu.memory_space<vmem>> -> memref<4096xf32, #tpu.memory_space<vmem>>
    %dma_wait3A_68 = tpu.memref_slice %arg2[%add3A_1] : memref<262144xf32, #tpu.memory_space<hbm>> -> memref<4096xf32, #tpu.memory_space<hbm>>
    tpu.wait_dma2 semaphore(%arg13 : memref<!tpu.dma_semaphore, #tpu.memory_space<semaphore_mem>>) src(%dma_wait3A_68 : memref<4096xf32, #tpu.memory_space<hbm>>) dst(%dma_wait3A_67 : memref<4096xf32, #tpu.memory_space<vmem>>)
    %dma_wait3A_69 = arith.constant 0 : i32
    %dma_wait3A_70 = tpu.memref_slice %arg7[%dma_wait3A_69] : memref<16384xf32, #tpu.memory_space<vmem>> -> memref<4096xf32, #tpu.memory_space<vmem>>
    %dma_wait3A_71 = tpu.memref_slice %arg3[%add3A_8] : memref<262144xf32, #tpu.memory_space<hbm>> -> memref<4096xf32, #tpu.memory_space<hbm>>
    %dma_wait3A_72 = arith.constant 0 : i32
    %dma_wait3A_73 = tpu.memref_slice %arg7[%dma_wait3A_72] : memref<16384xf32, #tpu.memory_space<vmem>> -> memref<4096xf32, #tpu.memory_space<vmem>>
    %dma_wait3A_74 = tpu.memref_slice %arg3[%add3A_8] : memref<262144xf32, #tpu.memory_space<hbm>> -> memref<4096xf32, #tpu.memory_space<hbm>>
    tpu.wait_dma2 semaphore(%arg14 : memref<!tpu.dma_semaphore, #tpu.memory_space<semaphore_mem>>) src(%dma_wait3A_74 : memref<4096xf32, #tpu.memory_space<hbm>>) dst(%dma_wait3A_73 : memref<4096xf32, #tpu.memory_space<vmem>>)
    %scan3A = arith.constant 0 : i32
    %scan3A_75 = arith.constant 64 : i32
    %scan3A_76 = arith.addi %scan3A, %scan3A_75 : i32
    %scan3A_77 = arith.constant 1 : i32
    %scan3A_78:4 = scf.for %scan3A_207 = %scan3A to %scan3A_76 step %scan3A_77 iter_args(%scan3A_208 = %broadcast_in_dim3A_63, %scan3A_209 = %broadcast_in_dim3A_63, %scan3A_210 = %broadcast_in_dim3A_63, %scan3A_211 = %broadcast_in_dim3A_63) -> (vector<16xf32>, vector<16xf32>, vector<16xf32>, vector<16xf32>)  : i32 {
      %mul3A_212 = arith.constant 64 : i32
      %mul3A_213 = arith.muli %scan3A_207, %mul3A_212 : i32
      %add3A_214 = arith.constant 0 : i32
      %add3A_215 = arith.addi %mul3A_213, %add3A_214 : i32
      %get3A = arith.index_cast %add3A_215 : i32 to index
      %get3A_216 = tpu.vector_load %arg6[%get3A] {strides = array<i32>} : memref<16384xf32, #tpu.memory_space<vmem>>, vector<16xf32>,
      %add3A_217 = arith.constant 0 : i32
      %add3A_218 = arith.addi %mul3A_213, %add3A_217 : i32
      %get3A_219 = arith.index_cast %add3A_218 : i32 to index
      %get3A_220 = tpu.vector_load %arg7[%get3A_219] {strides = array<i32>} : memref<16384xf32, #tpu.memory_space<vmem>>, vector<16xf32>,
      %sub3A = arith.subf %get3A_216, %get3A_220 : vector<16xf32>
      %abs3A = math.absf %sub3A : vector<16xf32>
      %max3A_221 = arith.maximumf %scan3A_208, %abs3A : vector<16xf32>
      %add3A_222 = arith.constant 16 : i32
      %add3A_223 = arith.addi %mul3A_213, %add3A_222 : i32
      %get3A_224 = arith.index_cast %add3A_223 : i32 to index
      %get3A_225 = tpu.vector_load %arg6[%get3A_224] {strides = array<i32>} : memref<16384xf32, #tpu.memory_space<vmem>>, vector<16xf32>,
      %add3A_226 = arith.constant 16 : i32
      %add3A_227 = arith.addi %mul3A_213, %add3A_226 : i32
      %get3A_228 = arith.index_cast %add3A_227 : i32 to index
      %get3A_229 = tpu.vector_load %arg7[%get3A_228] {strides = array<i32>} : memref<16384xf32, #tpu.memory_space<vmem>>, vector<16xf32>,
      %sub3A_230 = arith.subf %get3A_225, %get3A_229 : vector<16xf32>
      %abs3A_231 = math.absf %sub3A_230 : vector<16xf32>
      %max3A_232 = arith.maximumf %scan3A_209, %abs3A_231 : vector<16xf32>
      %add3A_233 = arith.constant 32 : i32
      %add3A_234 = arith.addi %mul3A_213, %add3A_233 : i32
      %get3A_235 = arith.index_cast %add3A_234 : i32 to index
      %get3A_236 = tpu.vector_load %arg6[%get3A_235] {strides = array<i32>} : memref<16384xf32, #tpu.memory_space<vmem>>, vector<16xf32>,
      %add3A_237 = arith.constant 32 : i32
      %add3A_238 = arith.addi %mul3A_213, %add3A_237 : i32
      %get3A_239 = arith.index_cast %add3A_238 : i32 to index
      %get3A_240 = tpu.vector_load %arg7[%get3A_239] {strides = array<i32>} : memref<16384xf32, #tpu.memory_space<vmem>>, vector<16xf32>,
      %sub3A_241 = arith.subf %get3A_236, %get3A_240 : vector<16xf32>
      %abs3A_242 = math.absf %sub3A_241 : vector<16xf32>
      %max3A_243 = arith.maximumf %scan3A_210, %abs3A_242 : vector<16xf32>
      %add3A_244 = arith.constant 48 : i32
      %add3A_245 = arith.addi %mul3A_213, %add3A_244 : i32
      %get3A_246 = arith.index_cast %add3A_245 : i32 to index
      %get3A_247 = tpu.vector_load %arg6[%get3A_246] {strides = array<i32>} : memref<16384xf32, #tpu.memory_space<vmem>>, vector<16xf32>,
      %add3A_248 = arith.constant 48 : i32
      %add3A_249 = arith.addi %mul3A_213, %add3A_248 : i32
      %get3A_250 = arith.index_cast %add3A_249 : i32 to index
      %get3A_251 = tpu.vector_load %arg7[%get3A_250] {strides = array<i32>} : memref<16384xf32, #tpu.memory_space<vmem>>, vector<16xf32>,
      %sub3A_252 = arith.subf %get3A_247, %get3A_251 : vector<16xf32>
      %abs3A_253 = math.absf %sub3A_252 : vector<16xf32>
      %max3A_254 = arith.maximumf %scan3A_211, %abs3A_253 : vector<16xf32>
      scf.yield %max3A_221, %max3A_232, %max3A_243, %max3A_254 : vector<16xf32>, vector<16xf32>, vector<16xf32>, vector<16xf32>
    }
    %scan3A_79 = arith.constant 64 : i32
    %dma_wait3A_80 = arith.constant 4096 : i32
    %dma_wait3A_81 = tpu.memref_slice %arg6[%dma_wait3A_80] : memref<16384xf32, #tpu.memory_space<vmem>> -> memref<4096xf32, #tpu.memory_space<vmem>>
    %dma_wait3A_82 = tpu.memref_slice %arg2[%add3A_16] : memref<262144xf32, #tpu.memory_space<hbm>> -> memref<4096xf32, #tpu.memory_space<hbm>>
    %dma_wait3A_83 = arith.constant 4096 : i32
    %dma_wait3A_84 = tpu.memref_slice %arg6[%dma_wait3A_83] : memref<16384xf32, #tpu.memory_space<vmem>> -> memref<4096xf32, #tpu.memory_space<vmem>>
    %dma_wait3A_85 = tpu.memref_slice %arg2[%add3A_16] : memref<262144xf32, #tpu.memory_space<hbm>> -> memref<4096xf32, #tpu.memory_space<hbm>>
    tpu.wait_dma2 semaphore(%arg15 : memref<!tpu.dma_semaphore, #tpu.memory_space<semaphore_mem>>) src(%dma_wait3A_85 : memref<4096xf32, #tpu.memory_space<hbm>>) dst(%dma_wait3A_84 : memref<4096xf32, #tpu.memory_space<vmem>>)
    %dma_wait3A_86 = arith.constant 4096 : i32
    %dma_wait3A_87 = tpu.memref_slice %arg7[%dma_wait3A_86] : memref<16384xf32, #tpu.memory_space<vmem>> -> memref<4096xf32, #tpu.memory_space<vmem>>
    %dma_wait3A_88 = tpu.memref_slice %arg3[%add3A_24] : memref<262144xf32, #tpu.memory_space<hbm>> -> memref<4096xf32, #tpu.memory_space<hbm>>
    %dma_wait3A_89 = arith.constant 4096 : i32
    %dma_wait3A_90 = tpu.memref_slice %arg7[%dma_wait3A_89] : memref<16384xf32, #tpu.memory_space<vmem>> -> memref<4096xf32, #tpu.memory_space<vmem>>
    %dma_wait3A_91 = tpu.memref_slice %arg3[%add3A_24] : memref<262144xf32, #tpu.memory_space<hbm>> -> memref<4096xf32, #tpu.memory_space<hbm>>
    tpu.wait_dma2 semaphore(%arg16 : memref<!tpu.dma_semaphore, #tpu.memory_space<semaphore_mem>>) src(%dma_wait3A_91 : memref<4096xf32, #tpu.memory_space<hbm>>) dst(%dma_wait3A_90 : memref<4096xf32, #tpu.memory_space<vmem>>)
    %scan3A_92 = arith.constant 64 : i32
    %scan3A_93 = arith.constant 64 : i32
    %scan3A_94 = arith.addi %scan3A_92, %scan3A_93 : i32
    %scan3A_95 = arith.constant 1 : i32
    %scan3A_96:4 = scf.for %scan3A_207 = %scan3A_92 to %scan3A_94 step %scan3A_95 iter_args(%scan3A_208 = %scan3A_78#0, %scan3A_209 = %scan3A_78#1, %scan3A_210 = %scan3A_78#2, %scan3A_211 = %scan3A_78#3) -> (vector<16xf32>, vector<16xf32>, vector<16xf32>, vector<16xf32>)  : i32 {
      %mul3A_212 = arith.constant 64 : i32
      %mul3A_213 = arith.muli %scan3A_207, %mul3A_212 : i32
      %add3A_214 = arith.constant 0 : i32
      %add3A_215 = arith.addi %mul3A_213, %add3A_214 : i32
      %get3A = arith.index_cast %add3A_215 : i32 to index
      %get3A_216 = tpu.vector_load %arg6[%get3A] {strides = array<i32>} : memref<16384xf32, #tpu.memory_space<vmem>>, vector<16xf32>,
      %add3A_217 = arith.constant 0 : i32
      %add3A_218 = arith.addi %mul3A_213, %add3A_217 : i32
      %get3A_219 = arith.index_cast %add3A_218 : i32 to index
      %get3A_220 = tpu.vector_load %arg7[%get3A_219] {strides = array<i32>} : memref<16384xf32, #tpu.memory_space<vmem>>, vector<16xf32>,
      %sub3A = arith.subf %get3A_216, %get3A_220 : vector<16xf32>
      %abs3A = math.absf %sub3A : vector<16xf32>
      %max3A_221 = arith.maximumf %scan3A_208, %abs3A : vector<16xf32>
      %add3A_222 = arith.constant 16 : i32
      %add3A_223 = arith.addi %mul3A_213, %add3A_222 : i32
      %get3A_224 = arith.index_cast %add3A_223 : i32 to index
      %get3A_225 = tpu.vector_load %arg6[%get3A_224] {strides = array<i32>} : memref<16384xf32, #tpu.memory_space<vmem>>, vector<16xf32>,
      %add3A_226 = arith.constant 16 : i32
      %add3A_227 = arith.addi %mul3A_213, %add3A_226 : i32
      %get3A_228 = arith.index_cast %add3A_227 : i32 to index
      %get3A_229 = tpu.vector_load %arg7[%get3A_228] {strides = array<i32>} : memref<16384xf32, #tpu.memory_space<vmem>>, vector<16xf32>,
      %sub3A_230 = arith.subf %get3A_225, %get3A_229 : vector<16xf32>
      %abs3A_231 = math.absf %sub3A_230 : vector<16xf32>
      %max3A_232 = arith.maximumf %scan3A_209, %abs3A_231 : vector<16xf32>
      %add3A_233 = arith.constant 32 : i32
      %add3A_234 = arith.addi %mul3A_213, %add3A_233 : i32
      %get3A_235 = arith.index_cast %add3A_234 : i32 to index
      %get3A_236 = tpu.vector_load %arg6[%get3A_235] {strides = array<i32>} : memref<16384xf32, #tpu.memory_space<vmem>>, vector<16xf32>,
      %add3A_237 = arith.constant 32 : i32
      %add3A_238 = arith.addi %mul3A_213, %add3A_237 : i32
      %get3A_239 = arith.index_cast %add3A_238 : i32 to index
      %get3A_240 = tpu.vector_load %arg7[%get3A_239] {strides = array<i32>} : memref<16384xf32, #tpu.memory_space<vmem>>, vector<16xf32>,
      %sub3A_241 = arith.subf %get3A_236, %get3A_240 : vector<16xf32>
      %abs3A_242 = math.absf %sub3A_241 : vector<16xf32>
      %max3A_243 = arith.maximumf %scan3A_210, %abs3A_242 : vector<16xf32>
      %add3A_244 = arith.constant 48 : i32
      %add3A_245 = arith.addi %mul3A_213, %add3A_244 : i32
      %get3A_246 = arith.index_cast %add3A_245 : i32 to index
      %get3A_247 = tpu.vector_load %arg6[%get3A_246] {strides = array<i32>} : memref<16384xf32, #tpu.memory_space<vmem>>, vector<16xf32>,
      %add3A_248 = arith.constant 48 : i32
      %add3A_249 = arith.addi %mul3A_213, %add3A_248 : i32
      %get3A_250 = arith.index_cast %add3A_249 : i32 to index
      %get3A_251 = tpu.vector_load %arg7[%get3A_250] {strides = array<i32>} : memref<16384xf32, #tpu.memory_space<vmem>>, vector<16xf32>,
      %sub3A_252 = arith.subf %get3A_247, %get3A_251 : vector<16xf32>
      %abs3A_253 = math.absf %sub3A_252 : vector<16xf32>
      %max3A_254 = arith.maximumf %scan3A_211, %abs3A_253 : vector<16xf32>
      scf.yield %max3A_221, %max3A_232, %max3A_243, %max3A_254 : vector<16xf32>, vector<16xf32>, vector<16xf32>, vector<16xf32>
    }
    %scan3A_97 = arith.constant 64 : i32
    %dma_wait3A_98 = arith.constant 8192 : i32
    %dma_wait3A_99 = tpu.memref_slice %arg6[%dma_wait3A_98] : memref<16384xf32, #tpu.memory_space<vmem>> -> memref<4096xf32, #tpu.memory_space<vmem>>
    %dma_wait3A_100 = tpu.memref_slice %arg2[%add3A_32] : memref<262144xf32, #tpu.memory_space<hbm>> -> memref<4096xf32, #tpu.memory_space<hbm>>
    %dma_wait3A_101 = arith.constant 8192 : i32
    %dma_wait3A_102 = tpu.memref_slice %arg6[%dma_wait3A_101] : memref<16384xf32, #tpu.memory_space<vmem>> -> memref<4096xf32, #tpu.memory_space<vmem>>
    %dma_wait3A_103 = tpu.memref_slice %arg2[%add3A_32] : memref<262144xf32, #tpu.memory_space<hbm>> -> memref<4096xf32, #tpu.memory_space<hbm>>
    tpu.wait_dma2 semaphore(%arg17 : memref<!tpu.dma_semaphore, #tpu.memory_space<semaphore_mem>>) src(%dma_wait3A_103 : memref<4096xf32, #tpu.memory_space<hbm>>) dst(%dma_wait3A_102 : memref<4096xf32, #tpu.memory_space<vmem>>)
    %dma_wait3A_104 = arith.constant 8192 : i32
    %dma_wait3A_105 = tpu.memref_slice %arg7[%dma_wait3A_104] : memref<16384xf32, #tpu.memory_space<vmem>> -> memref<4096xf32, #tpu.memory_space<vmem>>
    %dma_wait3A_106 = tpu.memref_slice %arg3[%add3A_40] : memref<262144xf32, #tpu.memory_space<hbm>> -> memref<4096xf32, #tpu.memory_space<hbm>>
    %dma_wait3A_107 = arith.constant 8192 : i32
    %dma_wait3A_108 = tpu.memref_slice %arg7[%dma_wait3A_107] : memref<16384xf32, #tpu.memory_space<vmem>> -> memref<4096xf32, #tpu.memory_space<vmem>>
    %dma_wait3A_109 = tpu.memref_slice %arg3[%add3A_40] : memref<262144xf32, #tpu.memory_space<hbm>> -> memref<4096xf32, #tpu.memory_space<hbm>>
    tpu.wait_dma2 semaphore(%arg18 : memref<!tpu.dma_semaphore, #tpu.memory_space<semaphore_mem>>) src(%dma_wait3A_109 : memref<4096xf32, #tpu.memory_space<hbm>>) dst(%dma_wait3A_108 : memref<4096xf32, #tpu.memory_space<vmem>>)
    %scan3A_110 = arith.constant 128 : i32
    %scan3A_111 = arith.constant 64 : i32
    %scan3A_112 = arith.addi %scan3A_110, %scan3A_111 : i32
    %scan3A_113 = arith.constant 1 : i32
    %scan3A_114:4 = scf.for %scan3A_207 = %scan3A_110 to %scan3A_112 step %scan3A_113 iter_args(%scan3A_208 = %scan3A_96#0, %scan3A_209 = %scan3A_96#1, %scan3A_210 = %scan3A_96#2, %scan3A_211 = %scan3A_96#3) -> (vector<16xf32>, vector<16xf32>, vector<16xf32>, vector<16xf32>)  : i32 {
      %mul3A_212 = arith.constant 64 : i32
      %mul3A_213 = arith.muli %scan3A_207, %mul3A_212 : i32
      %add3A_214 = arith.constant 0 : i32
      %add3A_215 = arith.addi %mul3A_213, %add3A_214 : i32
      %get3A = arith.index_cast %add3A_215 : i32 to index
      %get3A_216 = tpu.vector_load %arg6[%get3A] {strides = array<i32>} : memref<16384xf32, #tpu.memory_space<vmem>>, vector<16xf32>,
      %add3A_217 = arith.constant 0 : i32
      %add3A_218 = arith.addi %mul3A_213, %add3A_217 : i32
      %get3A_219 = arith.index_cast %add3A_218 : i32 to index
      %get3A_220 = tpu.vector_load %arg7[%get3A_219] {strides = array<i32>} : memref<16384xf32, #tpu.memory_space<vmem>>, vector<16xf32>,
      %sub3A = arith.subf %get3A_216, %get3A_220 : vector<16xf32>
      %abs3A = math.absf %sub3A : vector<16xf32>
      %max3A_221 = arith.maximumf %scan3A_208, %abs3A : vector<16xf32>
      %add3A_222 = arith.constant 16 : i32
      %add3A_223 = arith.addi %mul3A_213, %add3A_222 : i32
      %get3A_224 = arith.index_cast %add3A_223 : i32 to index
      %get3A_225 = tpu.vector_load %arg6[%get3A_224] {strides = array<i32>} : memref<16384xf32, #tpu.memory_space<vmem>>, vector<16xf32>,
      %add3A_226 = arith.constant 16 : i32
      %add3A_227 = arith.addi %mul3A_213, %add3A_226 : i32
      %get3A_228 = arith.index_cast %add3A_227 : i32 to index
      %get3A_229 = tpu.vector_load %arg7[%get3A_228] {strides = array<i32>} : memref<16384xf32, #tpu.memory_space<vmem>>, vector<16xf32>,
      %sub3A_230 = arith.subf %get3A_225, %get3A_229 : vector<16xf32>
      %abs3A_231 = math.absf %sub3A_230 : vector<16xf32>
      %max3A_232 = arith.maximumf %scan3A_209, %abs3A_231 : vector<16xf32>
      %add3A_233 = arith.constant 32 : i32
      %add3A_234 = arith.addi %mul3A_213, %add3A_233 : i32
      %get3A_235 = arith.index_cast %add3A_234 : i32 to index
      %get3A_236 = tpu.vector_load %arg6[%get3A_235] {strides = array<i32>} : memref<16384xf32, #tpu.memory_space<vmem>>, vector<16xf32>,
      %add3A_237 = arith.constant 32 : i32
      %add3A_238 = arith.addi %mul3A_213, %add3A_237 : i32
      %get3A_239 = arith.index_cast %add3A_238 : i32 to index
      %get3A_240 = tpu.vector_load %arg7[%get3A_239] {strides = array<i32>} : memref<16384xf32, #tpu.memory_space<vmem>>, vector<16xf32>,
      %sub3A_241 = arith.subf %get3A_236, %get3A_240 : vector<16xf32>
      %abs3A_242 = math.absf %sub3A_241 : vector<16xf32>
      %max3A_243 = arith.maximumf %scan3A_210, %abs3A_242 : vector<16xf32>
      %add3A_244 = arith.constant 48 : i32
      %add3A_245 = arith.addi %mul3A_213, %add3A_244 : i32
      %get3A_246 = arith.index_cast %add3A_245 : i32 to index
      %get3A_247 = tpu.vector_load %arg6[%get3A_246] {strides = array<i32>} : memref<16384xf32, #tpu.memory_space<vmem>>, vector<16xf32>,
      %add3A_248 = arith.constant 48 : i32
      %add3A_249 = arith.addi %mul3A_213, %add3A_248 : i32
      %get3A_250 = arith.index_cast %add3A_249 : i32 to index
      %get3A_251 = tpu.vector_load %arg7[%get3A_250] {strides = array<i32>} : memref<16384xf32, #tpu.memory_space<vmem>>, vector<16xf32>,
      %sub3A_252 = arith.subf %get3A_247, %get3A_251 : vector<16xf32>
      %abs3A_253 = math.absf %sub3A_252 : vector<16xf32>
      %max3A_254 = arith.maximumf %scan3A_211, %abs3A_253 : vector<16xf32>
      scf.yield %max3A_221, %max3A_232, %max3A_243, %max3A_254 : vector<16xf32>, vector<16xf32>, vector<16xf32>, vector<16xf32>
    }
    %scan3A_115 = arith.constant 64 : i32
    %dma_wait3A_116 = arith.constant 12288 : i32
    %dma_wait3A_117 = tpu.memref_slice %arg6[%dma_wait3A_116] : memref<16384xf32, #tpu.memory_space<vmem>> -> memref<4096xf32, #tpu.memory_space<vmem>>
    %dma_wait3A_118 = tpu.memref_slice %arg2[%add3A_48] : memref<262144xf32, #tpu.memory_space<hbm>> -> memref<4096xf32, #tpu.memory_space<hbm>>
    %dma_wait3A_119 = arith.constant 12288 : i32
    %dma_wait3A_120 = tpu.memref_slice %arg6[%dma_wait3A_119] : memref<16384xf32, #tpu.memory_space<vmem>> -> memref<4096xf32, #tpu.memory_space<vmem>>
    %dma_wait3A_121 = tpu.memref_slice %arg2[%add3A_48] : memref<262144xf32, #tpu.memory_space<hbm>> -> memref<4096xf32, #tpu.memory_space<hbm>>
    tpu.wait_dma2 semaphore(%arg19 : memref<!tpu.dma_semaphore, #tpu.memory_space<semaphore_mem>>) src(%dma_wait3A_121 : memref<4096xf32, #tpu.memory_space<hbm>>) dst(%dma_wait3A_120 : memref<4096xf32, #tpu.memory_space<vmem>>)
    %dma_wait3A_122 = arith.constant 12288 : i32
    %dma_wait3A_123 = tpu.memref_slice %arg7[%dma_wait3A_122] : memref<16384xf32, #tpu.memory_space<vmem>> -> memref<4096xf32, #tpu.memory_space<vmem>>
    %dma_wait3A_124 = tpu.memref_slice %arg3[%add3A_56] : memref<262144xf32, #tpu.memory_space<hbm>> -> memref<4096xf32, #tpu.memory_space<hbm>>
    %dma_wait3A_125 = arith.constant 12288 : i32
    %dma_wait3A_126 = tpu.memref_slice %arg7[%dma_wait3A_125] : memref<16384xf32, #tpu.memory_space<vmem>> -> memref<4096xf32, #tpu.memory_space<vmem>>
    %dma_wait3A_127 = tpu.memref_slice %arg3[%add3A_56] : memref<262144xf32, #tpu.memory_space<hbm>> -> memref<4096xf32, #tpu.memory_space<hbm>>
    tpu.wait_dma2 semaphore(%arg20 : memref<!tpu.dma_semaphore, #tpu.memory_space<semaphore_mem>>) src(%dma_wait3A_127 : memref<4096xf32, #tpu.memory_space<hbm>>) dst(%dma_wait3A_126 : memref<4096xf32, #tpu.memory_space<vmem>>)
    %scan3A_128 = arith.constant 192 : i32
    %scan3A_129 = arith.constant 64 : i32
    %scan3A_130 = arith.addi %scan3A_128, %scan3A_129 : i32
    %scan3A_131 = arith.constant 1 : i32
    %scan3A_132:4 = scf.for %scan3A_207 = %scan3A_128 to %scan3A_130 step %scan3A_131 iter_args(%scan3A_208 = %scan3A_114#0, %scan3A_209 = %scan3A_114#1, %scan3A_210 = %scan3A_114#2, %scan3A_211 = %scan3A_114#3) -> (vector<16xf32>, vector<16xf32>, vector<16xf32>, vector<16xf32>)  : i32 {
      %mul3A_212 = arith.constant 64 : i32
      %mul3A_213 = arith.muli %scan3A_207, %mul3A_212 : i32
      %add3A_214 = arith.constant 0 : i32
      %add3A_215 = arith.addi %mul3A_213, %add3A_214 : i32
      %get3A = arith.index_cast %add3A_215 : i32 to index
      %get3A_216 = tpu.vector_load %arg6[%get3A] {strides = array<i32>} : memref<16384xf32, #tpu.memory_space<vmem>>, vector<16xf32>,
      %add3A_217 = arith.constant 0 : i32
      %add3A_218 = arith.addi %mul3A_213, %add3A_217 : i32
      %get3A_219 = arith.index_cast %add3A_218 : i32 to index
      %get3A_220 = tpu.vector_load %arg7[%get3A_219] {strides = array<i32>} : memref<16384xf32, #tpu.memory_space<vmem>>, vector<16xf32>,
      %sub3A = arith.subf %get3A_216, %get3A_220 : vector<16xf32>
      %abs3A = math.absf %sub3A : vector<16xf32>
      %max3A_221 = arith.maximumf %scan3A_208, %abs3A : vector<16xf32>
      %add3A_222 = arith.constant 16 : i32
      %add3A_223 = arith.addi %mul3A_213, %add3A_222 : i32
      %get3A_224 = arith.index_cast %add3A_223 : i32 to index
      %get3A_225 = tpu.vector_load %arg6[%get3A_224] {strides = array<i32>} : memref<16384xf32, #tpu.memory_space<vmem>>, vector<16xf32>,
      %add3A_226 = arith.constant 16 : i32
      %add3A_227 = arith.addi %mul3A_213, %add3A_226 : i32
      %get3A_228 = arith.index_cast %add3A_227 : i32 to index
      %get3A_229 = tpu.vector_load %arg7[%get3A_228] {strides = array<i32>} : memref<16384xf32, #tpu.memory_space<vmem>>, vector<16xf32>,
      %sub3A_230 = arith.subf %get3A_225, %get3A_229 : vector<16xf32>
      %abs3A_231 = math.absf %sub3A_230 : vector<16xf32>
      %max3A_232 = arith.maximumf %scan3A_209, %abs3A_231 : vector<16xf32>
      %add3A_233 = arith.constant 32 : i32
      %add3A_234 = arith.addi %mul3A_213, %add3A_233 : i32
      %get3A_235 = arith.index_cast %add3A_234 : i32 to index
      %get3A_236 = tpu.vector_load %arg6[%get3A_235] {strides = array<i32>} : memref<16384xf32, #tpu.memory_space<vmem>>, vector<16xf32>,
      %add3A_237 = arith.constant 32 : i32
      %add3A_238 = arith.addi %mul3A_213, %add3A_237 : i32
      %get3A_239 = arith.index_cast %add3A_238 : i32 to index
      %get3A_240 = tpu.vector_load %arg7[%get3A_239] {strides = array<i32>} : memref<16384xf32, #tpu.memory_space<vmem>>, vector<16xf32>,
      %sub3A_241 = arith.subf %get3A_236, %get3A_240 : vector<16xf32>
      %abs3A_242 = math.absf %sub3A_241 : vector<16xf32>
      %max3A_243 = arith.maximumf %scan3A_210, %abs3A_242 : vector<16xf32>
      %add3A_244 = arith.constant 48 : i32
      %add3A_245 = arith.addi %mul3A_213, %add3A_244 : i32
      %get3A_246 = arith.index_cast %add3A_245 : i32 to index
      %get3A_247 = tpu.vector_load %arg6[%get3A_246] {strides = array<i32>} : memref<16384xf32, #tpu.memory_space<vmem>>, vector<16xf32>,
      %add3A_248 = arith.constant 48 : i32
      %add3A_249 = arith.addi %mul3A_213, %add3A_248 : i32
      %get3A_250 = arith.index_cast %add3A_249 : i32 to index
      %get3A_251 = tpu.vector_load %arg7[%get3A_250] {strides = array<i32>} : memref<16384xf32, #tpu.memory_space<vmem>>, vector<16xf32>,
      %sub3A_252 = arith.subf %get3A_247, %get3A_251 : vector<16xf32>
      %abs3A_253 = math.absf %sub3A_252 : vector<16xf32>
      %max3A_254 = arith.maximumf %scan3A_211, %abs3A_253 : vector<16xf32>
      scf.yield %max3A_221, %max3A_232, %max3A_243, %max3A_254 : vector<16xf32>, vector<16xf32>, vector<16xf32>, vector<16xf32>
    }
    %scan3A_133 = arith.constant 64 : i32
    %max3A = arith.maximumf %scan3A_132#0, %scan3A_132#1 : vector<16xf32>
    %max3A_134 = arith.maximumf %scan3A_132#2, %scan3A_132#3 : vector<16xf32>
    %max3A_135 = arith.maximumf %max3A, %max3A_134 : vector<16xf32>
    %swap3A = arith.constant 0 : index
    %swap3A_136 = tpu.vector_load %arg12[%swap3A] {strides = array<i32>} : memref<16xf32, #tpu.memory_space<vmem>>, vector<16xf32>,
    tpu.vector_store %arg12[%swap3A], %max3A_135 {strides = array<i32>} : memref<16xf32, #tpu.memory_space<vmem>>, vector<16xf32>,
    %mul3A_137 = arith.constant 16 : i32
    %mul3A_138 = arith.muli %arg1, %mul3A_137 : i32
    "tpu.region"() ({
      %run_scoped3A = tpu.sem_alloc : memref<!tpu.dma_semaphore, #tpu.memory_space<semaphore_mem>>
      %dma_start3A_207 = tpu.memref_slice %arg8[%mul3A_138] : memref<256xf32, #tpu.memory_space<vmem_shared>> -> memref<16xf32, #tpu.memory_space<vmem_shared>>
      %dma_start3A_208 = tpu.memref_slice %arg8[%mul3A_138] : memref<256xf32, #tpu.memory_space<vmem_shared>> -> memref<16xf32, #tpu.memory_space<vmem_shared>>
      tpu.enqueue_dma source(%arg12 : memref<16xf32, #tpu.memory_space<vmem>>) target(%dma_start3A_208 : memref<16xf32, #tpu.memory_space<vmem_shared>>) target_semaphore(%run_scoped3A : memref<!tpu.dma_semaphore, #tpu.memory_space<semaphore_mem>>)
      %dma_wait3A_209 = tpu.memref_slice %arg8[%mul3A_138] : memref<256xf32, #tpu.memory_space<vmem_shared>> -> memref<16xf32, #tpu.memory_space<vmem_shared>>
      %dma_wait3A_210 = tpu.memref_slice %arg8[%mul3A_138] : memref<256xf32, #tpu.memory_space<vmem_shared>> -> memref<16xf32, #tpu.memory_space<vmem_shared>>
      tpu.wait_dma2 semaphore(%run_scoped3A : memref<!tpu.dma_semaphore, #tpu.memory_space<semaphore_mem>>) src(%arg12 : memref<16xf32, #tpu.memory_space<vmem>>) dst(%dma_wait3A_210 : memref<16xf32, #tpu.memory_space<vmem_shared>>)
      tpu.yield
    }) : () -> ()
    %barrier3A = arith.constant 0 : index
    tpu.barrier barrier_id(%barrier3A)
    "tpu.region"() ({
      %run_scoped3A = tpu.sem_alloc : memref<!tpu.dma_semaphore, #tpu.memory_space<semaphore_mem>>
      tpu.enqueue_dma source(%arg8 : memref<256xf32, #tpu.memory_space<vmem_shared>>) target(%arg9 : memref<256xf32, #tpu.memory_space<vmem>>) target_semaphore(%run_scoped3A : memref<!tpu.dma_semaphore, #tpu.memory_space<semaphore_mem>>)
      tpu.wait_dma2 semaphore(%run_scoped3A : memref<!tpu.dma_semaphore, #tpu.memory_space<semaphore_mem>>) src(%arg8 : memref<256xf32, #tpu.memory_space<vmem_shared>>) dst(%arg9 : memref<256xf32, #tpu.memory_space<vmem>>)
      tpu.yield
    }) : () -> ()
    %scan3A_139 = arith.constant 0 : i32
    %scan3A_140 = arith.constant 16 : i32
    %scan3A_141 = arith.addi %scan3A_139, %scan3A_140 : i32
    %scan3A_142 = arith.constant 1 : i32
    %scan3A_143 = scf.for %scan3A_207 = %scan3A_139 to %scan3A_141 step %scan3A_142 iter_args(%scan3A_208 = %broadcast_in_dim3A_63) -> (vector<16xf32>)  : i32 {
      %mul3A_209 = arith.constant 16 : i32
      %mul3A_210 = arith.muli %scan3A_207, %mul3A_209 : i32
      %get3A = arith.index_cast %mul3A_210 : i32 to index
      %get3A_211 = tpu.vector_load %arg9[%get3A] {strides = array<i32>} : memref<256xf32, #tpu.memory_space<vmem>>, vector<16xf32>,
      %max3A_212 = arith.maximumf %scan3A_208, %get3A_211 : vector<16xf32>
      scf.yield %max3A_212 : vector<16xf32>
    }
    %scan3A_144 = arith.constant 16 : i32
    %iota3A = tpu.iota {dimensions = array<i32: 0>} : vector<16xi32>
    %swap3A_145 = arith.constant 0 : index
    %swap3A_146 = tpu.vector_load %arg12[%swap3A_145] {strides = array<i32>} : memref<16xf32, #tpu.memory_space<vmem>>, vector<16xf32>,
    tpu.vector_store %arg12[%swap3A_145], %scan3A_143 {strides = array<i32>} : memref<16xf32, #tpu.memory_space<vmem>>, vector<16xf32>,
    %xor3A = arith.constant 8 : i32
    %xor3A_147 = vector.broadcast %xor3A : i32 to vector<16xi32>
    %xor3A_148 = arith.xori %iota3A, %xor3A_147 : vector<16xi32>
    %gather3A = tpu.vector_load_idx %arg12[%xor3A_148] : memref<16xf32, #tpu.memory_space<vmem>>[vector<16xi32>], vector<16xf32>,
    %max3A_149 = arith.maximumf %scan3A_143, %gather3A : vector<16xf32>
    %swap3A_150 = arith.constant 0 : index
    %swap3A_151 = tpu.vector_load %arg12[%swap3A_150] {strides = array<i32>} : memref<16xf32, #tpu.memory_space<vmem>>, vector<16xf32>,
    tpu.vector_store %arg12[%swap3A_150], %max3A_149 {strides = array<i32>} : memref<16xf32, #tpu.memory_space<vmem>>, vector<16xf32>,
    %xor3A_152 = arith.constant 4 : i32
    %xor3A_153 = vector.broadcast %xor3A_152 : i32 to vector<16xi32>
    %xor3A_154 = arith.xori %iota3A, %xor3A_153 : vector<16xi32>
    %gather3A_155 = tpu.vector_load_idx %arg12[%xor3A_154] : memref<16xf32, #tpu.memory_space<vmem>>[vector<16xi32>], vector<16xf32>,
    %max3A_156 = arith.maximumf %max3A_149, %gather3A_155 : vector<16xf32>
    %swap3A_157 = arith.constant 0 : index
    %swap3A_158 = tpu.vector_load %arg12[%swap3A_157] {strides = array<i32>} : memref<16xf32, #tpu.memory_space<vmem>>, vector<16xf32>,
    tpu.vector_store %arg12[%swap3A_157], %max3A_156 {strides = array<i32>} : memref<16xf32, #tpu.memory_space<vmem>>, vector<16xf32>,
    %xor3A_159 = arith.constant 2 : i32
    %xor3A_160 = vector.broadcast %xor3A_159 : i32 to vector<16xi32>
    %xor3A_161 = arith.xori %iota3A, %xor3A_160 : vector<16xi32>
    %gather3A_162 = tpu.vector_load_idx %arg12[%xor3A_161] : memref<16xf32, #tpu.memory_space<vmem>>[vector<16xi32>], vector<16xf32>,
    %max3A_163 = arith.maximumf %max3A_156, %gather3A_162 : vector<16xf32>
    %swap3A_164 = arith.constant 0 : index
    %swap3A_165 = tpu.vector_load %arg12[%swap3A_164] {strides = array<i32>} : memref<16xf32, #tpu.memory_space<vmem>>, vector<16xf32>,
    tpu.vector_store %arg12[%swap3A_164], %max3A_163 {strides = array<i32>} : memref<16xf32, #tpu.memory_space<vmem>>, vector<16xf32>,
    %xor3A_166 = arith.constant 1 : i32
    %xor3A_167 = vector.broadcast %xor3A_166 : i32 to vector<16xi32>
    %xor3A_168 = arith.xori %iota3A, %xor3A_167 : vector<16xi32>
    %gather3A_169 = tpu.vector_load_idx %arg12[%xor3A_168] : memref<16xf32, #tpu.memory_space<vmem>>[vector<16xi32>], vector<16xf32>,
    %max3A_170 = arith.maximumf %max3A_163, %gather3A_169 : vector<16xf32>
    %div3A = arith.constant 9.000000e+00 : f32
    %div3A_171 = vector.broadcast %div3A : f32 to vector<16xf32>
    %div3A_172 = arith.divf %div3A_171, %max3A_170 : vector<16xf32>
    %min3A = arith.constant 9 : i32
    %min3A_173 = vector.broadcast %min3A : i32 to vector<16xi32>
    %min3A_174 = arith.minsi %iota3A, %min3A_173 : vector<16xi32>
    %gather3A_175 = tpu.vector_load_idx %arg10[%min3A_174] : memref<10xf32, #tpu.memory_space<vmem>>[vector<16xi32>], vector<16xf32>,
    %add3A_176 = arith.constant 9.99999997E-7 : f32
    %add3A_177 = vector.broadcast %add3A_176 : f32 to vector<16xf32>
    %add3A_178 = arith.addf %gather3A_175, %add3A_177 : vector<16xf32>
    %div3A_179 = arith.constant 1.000000e+00 : f32
    %div3A_180 = vector.broadcast %div3A_179 : f32 to vector<16xf32>
    %div3A_181 = arith.divf %div3A_180, %add3A_178 : vector<16xf32>
    %swap3A_182 = arith.constant 0 : index
    %swap3A_183 = tpu.vector_load %arg11[%swap3A_182] {strides = array<i32>} : memref<16xf32, #tpu.memory_space<vmem>>, vector<16xf32>,
    tpu.vector_store %arg11[%swap3A_182], %div3A_181 {strides = array<i32>} : memref<16xf32, #tpu.memory_space<vmem>>, vector<16xf32>,
    %scan3A_184 = arith.constant 0 : i32
    %scan3A_185 = arith.constant 128 : i32
    %scan3A_186 = arith.addi %scan3A_184, %scan3A_185 : i32
    %scan3A_187 = arith.constant 1 : i32
    %scan3A_188:8 = scf.for %scan3A_207 = %scan3A_184 to %scan3A_186 step %scan3A_187 iter_args(%scan3A_208 = %broadcast_in_dim3A_63, %scan3A_209 = %broadcast_in_dim3A_63, %scan3A_210 = %broadcast_in_dim3A_63, %scan3A_211 = %broadcast_in_dim3A_63, %scan3A_212 = %broadcast_in_dim3A_63, %scan3A_213 = %broadcast_in_dim3A_63, %scan3A_214 = %broadcast_in_dim3A_63, %scan3A_215 = %broadcast_in_dim3A_63) -> (vector<16xf32>, vector<16xf32>, vector<16xf32>, vector<16xf32>, vector<16xf32>, vector<16xf32>, vector<16xf32>, vector<16xf32>)  : i32 {
      %mul3A_216 = arith.constant 128 : i32
      %mul3A_217 = arith.muli %scan3A_207, %mul3A_216 : i32
      %add3A_218 = arith.constant 0 : i32
      %add3A_219 = arith.addi %mul3A_217, %add3A_218 : i32
      %get3A = arith.index_cast %add3A_219 : i32 to index
      %get3A_220 = tpu.vector_load %arg6[%get3A] {strides = array<i32>} : memref<16384xf32, #tpu.memory_space<vmem>>, vector<16xf32>,
      %add3A_221 = arith.constant 0 : i32
      %add3A_222 = arith.addi %mul3A_217, %add3A_221 : i32
      %get3A_223 = arith.index_cast %add3A_222 : i32 to index
      %get3A_224 = tpu.vector_load %arg7[%get3A_223] {strides = array<i32>} : memref<16384xf32, #tpu.memory_space<vmem>>, vector<16xf32>,
      %sub3A = arith.subf %get3A_220, %get3A_224 : vector<16xf32>
      %abs3A = math.absf %sub3A : vector<16xf32>
      %mul3A_225 = arith.mulf %abs3A, %div3A_172 : vector<16xf32>
      %convert_element_type3A_226 = arith.fptosi %mul3A_225 : vector<16xf32> to vector<16xi32>
      %jit3A = arith.constant 0 : i32
      %jit3A_227 = arith.constant 9 : i32
      %max3A_228 = vector.broadcast %jit3A : i32 to vector<16xi32>
      %max3A_229 = arith.maxsi %max3A_228, %convert_element_type3A_226 : vector<16xi32>
      %min3A_230 = vector.broadcast %jit3A_227 : i32 to vector<16xi32>
      %min3A_231 = arith.minsi %min3A_230, %max3A_229 : vector<16xi32>
      %gather3A_232 = tpu.vector_load_idx %arg11[%min3A_231] : memref<16xf32, #tpu.memory_space<vmem>>[vector<16xi32>], vector<16xf32>,
      %mul3A_233 = arith.mulf %gather3A_232, %sub3A : vector<16xf32>
      %mul3A_234 = arith.mulf %mul3A_233, %sub3A : vector<16xf32>
      %add3A_235 = arith.addf %scan3A_208, %mul3A_234 : vector<16xf32>
      %add3A_236 = arith.constant 16 : i32
      %add3A_237 = arith.addi %mul3A_217, %add3A_236 : i32
      %get3A_238 = arith.index_cast %add3A_237 : i32 to index
      %get3A_239 = tpu.vector_load %arg6[%get3A_238] {strides = array<i32>} : memref<16384xf32, #tpu.memory_space<vmem>>, vector<16xf32>,
      %add3A_240 = arith.constant 16 : i32
      %add3A_241 = arith.addi %mul3A_217, %add3A_240 : i32
      %get3A_242 = arith.index_cast %add3A_241 : i32 to index
      %get3A_243 = tpu.vector_load %arg7[%get3A_242] {strides = array<i32>} : memref<16384xf32, #tpu.memory_space<vmem>>, vector<16xf32>,
      %sub3A_244 = arith.subf %get3A_239, %get3A_243 : vector<16xf32>
      %abs3A_245 = math.absf %sub3A_244 : vector<16xf32>
      %mul3A_246 = arith.mulf %abs3A_245, %div3A_172 : vector<16xf32>
      %convert_element_type3A_247 = arith.fptosi %mul3A_246 : vector<16xf32> to vector<16xi32>
      %jit3A_248 = arith.constant 0 : i32
      %jit3A_249 = arith.constant 9 : i32
      %max3A_250 = vector.broadcast %jit3A_248 : i32 to vector<16xi32>
      %max3A_251 = arith.maxsi %max3A_250, %convert_element_type3A_247 : vector<16xi32>
      %min3A_252 = vector.broadcast %jit3A_249 : i32 to vector<16xi32>
      %min3A_253 = arith.minsi %min3A_252, %max3A_251 : vector<16xi32>
      %gather3A_254 = tpu.vector_load_idx %arg11[%min3A_253] : memref<16xf32, #tpu.memory_space<vmem>>[vector<16xi32>], vector<16xf32>,
      %mul3A_255 = arith.mulf %gather3A_254, %sub3A_244 : vector<16xf32>
      %mul3A_256 = arith.mulf %mul3A_255, %sub3A_244 : vector<16xf32>
      %add3A_257 = arith.addf %scan3A_209, %mul3A_256 : vector<16xf32>
      %add3A_258 = arith.constant 32 : i32
      %add3A_259 = arith.addi %mul3A_217, %add3A_258 : i32
      %get3A_260 = arith.index_cast %add3A_259 : i32 to index
      %get3A_261 = tpu.vector_load %arg6[%get3A_260] {strides = array<i32>} : memref<16384xf32, #tpu.memory_space<vmem>>, vector<16xf32>,
      %add3A_262 = arith.constant 32 : i32
      %add3A_263 = arith.addi %mul3A_217, %add3A_262 : i32
      %get3A_264 = arith.index_cast %add3A_263 : i32 to index
      %get3A_265 = tpu.vector_load %arg7[%get3A_264] {strides = array<i32>} : memref<16384xf32, #tpu.memory_space<vmem>>, vector<16xf32>,
      %sub3A_266 = arith.subf %get3A_261, %get3A_265 : vector<16xf32>
      %abs3A_267 = math.absf %sub3A_266 : vector<16xf32>
      %mul3A_268 = arith.mulf %abs3A_267, %div3A_172 : vector<16xf32>
      %convert_element_type3A_269 = arith.fptosi %mul3A_268 : vector<16xf32> to vector<16xi32>
      %jit3A_270 = arith.constant 0 : i32
      %jit3A_271 = arith.constant 9 : i32
      %max3A_272 = vector.broadcast %jit3A_270 : i32 to vector<16xi32>
      %max3A_273 = arith.maxsi %max3A_272, %convert_element_type3A_269 : vector<16xi32>
      %min3A_274 = vector.broadcast %jit3A_271 : i32 to vector<16xi32>
      %min3A_275 = arith.minsi %min3A_274, %max3A_273 : vector<16xi32>
      %gather3A_276 = tpu.vector_load_idx %arg11[%min3A_275] : memref<16xf32, #tpu.memory_space<vmem>>[vector<16xi32>], vector<16xf32>,
      %mul3A_277 = arith.mulf %gather3A_276, %sub3A_266 : vector<16xf32>
      %mul3A_278 = arith.mulf %mul3A_277, %sub3A_266 : vector<16xf32>
      %add3A_279 = arith.addf %scan3A_210, %mul3A_278 : vector<16xf32>
      %add3A_280 = arith.constant 48 : i32
      %add3A_281 = arith.addi %mul3A_217, %add3A_280 : i32
      %get3A_282 = arith.index_cast %add3A_281 : i32 to index
      %get3A_283 = tpu.vector_load %arg6[%get3A_282] {strides = array<i32>} : memref<16384xf32, #tpu.memory_space<vmem>>, vector<16xf32>,
      %add3A_284 = arith.constant 48 : i32
      %add3A_285 = arith.addi %mul3A_217, %add3A_284 : i32
      %get3A_286 = arith.index_cast %add3A_285 : i32 to index
      %get3A_287 = tpu.vector_load %arg7[%get3A_286] {strides = array<i32>} : memref<16384xf32, #tpu.memory_space<vmem>>, vector<16xf32>,
      %sub3A_288 = arith.subf %get3A_283, %get3A_287 : vector<16xf32>
      %abs3A_289 = math.absf %sub3A_288 : vector<16xf32>
      %mul3A_290 = arith.mulf %abs3A_289, %div3A_172 : vector<16xf32>
      %convert_element_type3A_291 = arith.fptosi %mul3A_290 : vector<16xf32> to vector<16xi32>
      %jit3A_292 = arith.constant 0 : i32
      %jit3A_293 = arith.constant 9 : i32
      %max3A_294 = vector.broadcast %jit3A_292 : i32 to vector<16xi32>
      %max3A_295 = arith.maxsi %max3A_294, %convert_element_type3A_291 : vector<16xi32>
      %min3A_296 = vector.broadcast %jit3A_293 : i32 to vector<16xi32>
      %min3A_297 = arith.minsi %min3A_296, %max3A_295 : vector<16xi32>
      %gather3A_298 = tpu.vector_load_idx %arg11[%min3A_297] : memref<16xf32, #tpu.memory_space<vmem>>[vector<16xi32>], vector<16xf32>,
      %mul3A_299 = arith.mulf %gather3A_298, %sub3A_288 : vector<16xf32>
      %mul3A_300 = arith.mulf %mul3A_299, %sub3A_288 : vector<16xf32>
      %add3A_301 = arith.addf %scan3A_211, %mul3A_300 : vector<16xf32>
      %add3A_302 = arith.constant 64 : i32
      %add3A_303 = arith.addi %mul3A_217, %add3A_302 : i32
      %get3A_304 = arith.index_cast %add3A_303 : i32 to index
      %get3A_305 = tpu.vector_load %arg6[%get3A_304] {strides = array<i32>} : memref<16384xf32, #tpu.memory_space<vmem>>, vector<16xf32>,
      %add3A_306 = arith.constant 64 : i32
      %add3A_307 = arith.addi %mul3A_217, %add3A_306 : i32
      %get3A_308 = arith.index_cast %add3A_307 : i32 to index
      %get3A_309 = tpu.vector_load %arg7[%get3A_308] {strides = array<i32>} : memref<16384xf32, #tpu.memory_space<vmem>>, vector<16xf32>,
      %sub3A_310 = arith.subf %get3A_305, %get3A_309 : vector<16xf32>
      %abs3A_311 = math.absf %sub3A_310 : vector<16xf32>
      %mul3A_312 = arith.mulf %abs3A_311, %div3A_172 : vector<16xf32>
      %convert_element_type3A_313 = arith.fptosi %mul3A_312 : vector<16xf32> to vector<16xi32>
      %jit3A_314 = arith.constant 0 : i32
      %jit3A_315 = arith.constant 9 : i32
      %max3A_316 = vector.broadcast %jit3A_314 : i32 to vector<16xi32>
      %max3A_317 = arith.maxsi %max3A_316, %convert_element_type3A_313 : vector<16xi32>
      %min3A_318 = vector.broadcast %jit3A_315 : i32 to vector<16xi32>
      %min3A_319 = arith.minsi %min3A_318, %max3A_317 : vector<16xi32>
      %gather3A_320 = tpu.vector_load_idx %arg11[%min3A_319] : memref<16xf32, #tpu.memory_space<vmem>>[vector<16xi32>], vector<16xf32>,
      %mul3A_321 = arith.mulf %gather3A_320, %sub3A_310 : vector<16xf32>
      %mul3A_322 = arith.mulf %mul3A_321, %sub3A_310 : vector<16xf32>
      %add3A_323 = arith.addf %scan3A_212, %mul3A_322 : vector<16xf32>
      %add3A_324 = arith.constant 80 : i32
      %add3A_325 = arith.addi %mul3A_217, %add3A_324 : i32
      %get3A_326 = arith.index_cast %add3A_325 : i32 to index
      %get3A_327 = tpu.vector_load %arg6[%get3A_326] {strides = array<i32>} : memref<16384xf32, #tpu.memory_space<vmem>>, vector<16xf32>,
      %add3A_328 = arith.constant 80 : i32
      %add3A_329 = arith.addi %mul3A_217, %add3A_328 : i32
      %get3A_330 = arith.index_cast %add3A_329 : i32 to index
      %get3A_331 = tpu.vector_load %arg7[%get3A_330] {strides = array<i32>} : memref<16384xf32, #tpu.memory_space<vmem>>, vector<16xf32>,
      %sub3A_332 = arith.subf %get3A_327, %get3A_331 : vector<16xf32>
      %abs3A_333 = math.absf %sub3A_332 : vector<16xf32>
      %mul3A_334 = arith.mulf %abs3A_333, %div3A_172 : vector<16xf32>
      %convert_element_type3A_335 = arith.fptosi %mul3A_334 : vector<16xf32> to vector<16xi32>
      %jit3A_336 = arith.constant 0 : i32
      %jit3A_337 = arith.constant 9 : i32
      %max3A_338 = vector.broadcast %jit3A_336 : i32 to vector<16xi32>
      %max3A_339 = arith.maxsi %max3A_338, %convert_element_type3A_335 : vector<16xi32>
      %min3A_340 = vector.broadcast %jit3A_337 : i32 to vector<16xi32>
      %min3A_341 = arith.minsi %min3A_340, %max3A_339 : vector<16xi32>
      %gather3A_342 = tpu.vector_load_idx %arg11[%min3A_341] : memref<16xf32, #tpu.memory_space<vmem>>[vector<16xi32>], vector<16xf32>,
      %mul3A_343 = arith.mulf %gather3A_342, %sub3A_332 : vector<16xf32>
      %mul3A_344 = arith.mulf %mul3A_343, %sub3A_332 : vector<16xf32>
      %add3A_345 = arith.addf %scan3A_213, %mul3A_344 : vector<16xf32>
      %add3A_346 = arith.constant 96 : i32
      %add3A_347 = arith.addi %mul3A_217, %add3A_346 : i32
      %get3A_348 = arith.index_cast %add3A_347 : i32 to index
      %get3A_349 = tpu.vector_load %arg6[%get3A_348] {strides = array<i32>} : memref<16384xf32, #tpu.memory_space<vmem>>, vector<16xf32>,
      %add3A_350 = arith.constant 96 : i32
      %add3A_351 = arith.addi %mul3A_217, %add3A_350 : i32
      %get3A_352 = arith.index_cast %add3A_351 : i32 to index
      %get3A_353 = tpu.vector_load %arg7[%get3A_352] {strides = array<i32>} : memref<16384xf32, #tpu.memory_space<vmem>>, vector<16xf32>,
      %sub3A_354 = arith.subf %get3A_349, %get3A_353 : vector<16xf32>
      %abs3A_355 = math.absf %sub3A_354 : vector<16xf32>
      %mul3A_356 = arith.mulf %abs3A_355, %div3A_172 : vector<16xf32>
      %convert_element_type3A_357 = arith.fptosi %mul3A_356 : vector<16xf32> to vector<16xi32>
      %jit3A_358 = arith.constant 0 : i32
      %jit3A_359 = arith.constant 9 : i32
      %max3A_360 = vector.broadcast %jit3A_358 : i32 to vector<16xi32>
      %max3A_361 = arith.maxsi %max3A_360, %convert_element_type3A_357 : vector<16xi32>
      %min3A_362 = vector.broadcast %jit3A_359 : i32 to vector<16xi32>
      %min3A_363 = arith.minsi %min3A_362, %max3A_361 : vector<16xi32>
      %gather3A_364 = tpu.vector_load_idx %arg11[%min3A_363] : memref<16xf32, #tpu.memory_space<vmem>>[vector<16xi32>], vector<16xf32>,
      %mul3A_365 = arith.mulf %gather3A_364, %sub3A_354 : vector<16xf32>
      %mul3A_366 = arith.mulf %mul3A_365, %sub3A_354 : vector<16xf32>
      %add3A_367 = arith.addf %scan3A_214, %mul3A_366 : vector<16xf32>
      %add3A_368 = arith.constant 112 : i32
      %add3A_369 = arith.addi %mul3A_217, %add3A_368 : i32
      %get3A_370 = arith.index_cast %add3A_369 : i32 to index
      %get3A_371 = tpu.vector_load %arg6[%get3A_370] {strides = array<i32>} : memref<16384xf32, #tpu.memory_space<vmem>>, vector<16xf32>,
      %add3A_372 = arith.constant 112 : i32
      %add3A_373 = arith.addi %mul3A_217, %add3A_372 : i32
      %get3A_374 = arith.index_cast %add3A_373 : i32 to index
      %get3A_375 = tpu.vector_load %arg7[%get3A_374] {strides = array<i32>} : memref<16384xf32, #tpu.memory_space<vmem>>, vector<16xf32>,
      %sub3A_376 = arith.subf %get3A_371, %get3A_375 : vector<16xf32>
      %abs3A_377 = math.absf %sub3A_376 : vector<16xf32>
      %mul3A_378 = arith.mulf %abs3A_377, %div3A_172 : vector<16xf32>
      %convert_element_type3A_379 = arith.fptosi %mul3A_378 : vector<16xf32> to vector<16xi32>
      %jit3A_380 = arith.constant 0 : i32
      %jit3A_381 = arith.constant 9 : i32
      %max3A_382 = vector.broadcast %jit3A_380 : i32 to vector<16xi32>
      %max3A_383 = arith.maxsi %max3A_382, %convert_element_type3A_379 : vector<16xi32>
      %min3A_384 = vector.broadcast %jit3A_381 : i32 to vector<16xi32>
      %min3A_385 = arith.minsi %min3A_384, %max3A_383 : vector<16xi32>
      %gather3A_386 = tpu.vector_load_idx %arg11[%min3A_385] : memref<16xf32, #tpu.memory_space<vmem>>[vector<16xi32>], vector<16xf32>,
      %mul3A_387 = arith.mulf %gather3A_386, %sub3A_376 : vector<16xf32>
      %mul3A_388 = arith.mulf %mul3A_387, %sub3A_376 : vector<16xf32>
      %add3A_389 = arith.addf %scan3A_215, %mul3A_388 : vector<16xf32>
      scf.yield %add3A_235, %add3A_257, %add3A_279, %add3A_301, %add3A_323, %add3A_345, %add3A_367, %add3A_389 : vector<16xf32>, vector<16xf32>, vector<16xf32>, vector<16xf32>, vector<16xf32>, vector<16xf32>, vector<16xf32>, vector<16xf32>
    }
    %scan3A_189 = arith.constant 128 : i32
    %add3A_190 = arith.addf %broadcast_in_dim3A_63, %scan3A_188#0 : vector<16xf32>
    %add3A_191 = arith.addf %add3A_190, %scan3A_188#1 : vector<16xf32>
    %add3A_192 = arith.addf %add3A_191, %scan3A_188#2 : vector<16xf32>
    %add3A_193 = arith.addf %add3A_192, %scan3A_188#3 : vector<16xf32>
    %add3A_194 = arith.addf %add3A_193, %scan3A_188#4 : vector<16xf32>
    %add3A_195 = arith.addf %add3A_194, %scan3A_188#5 : vector<16xf32>
    %add3A_196 = arith.addf %add3A_195, %scan3A_188#6 : vector<16xf32>
    %add3A_197 = arith.addf %add3A_196, %scan3A_188#7 : vector<16xf32>
    %swap3A_198 = arith.constant 0 : index
    %swap3A_199 = tpu.vector_load %arg12[%swap3A_198] {strides = array<i32>} : memref<16xf32, #tpu.memory_space<vmem>>, vector<16xf32>,
    tpu.vector_store %arg12[%swap3A_198], %add3A_197 {strides = array<i32>} : memref<16xf32, #tpu.memory_space<vmem>>, vector<16xf32>,
    %mul3A_200 = arith.constant 16 : i32
    %mul3A_201 = arith.muli %arg1, %mul3A_200 : i32
    "tpu.region"() ({
      %run_scoped3A = tpu.sem_alloc : memref<!tpu.dma_semaphore, #tpu.memory_space<semaphore_mem>>
      %dma_start3A_207 = tpu.memref_slice %arg8[%mul3A_201] : memref<256xf32, #tpu.memory_space<vmem_shared>> -> memref<16xf32, #tpu.memory_space<vmem_shared>>
      %dma_start3A_208 = tpu.memref_slice %arg8[%mul3A_201] : memref<256xf32, #tpu.memory_space<vmem_shared>> -> memref<16xf32, #tpu.memory_space<vmem_shared>>
      tpu.enqueue_dma source(%arg12 : memref<16xf32, #tpu.memory_space<vmem>>) target(%dma_start3A_208 : memref<16xf32, #tpu.memory_space<vmem_shared>>) target_semaphore(%run_scoped3A : memref<!tpu.dma_semaphore, #tpu.memory_space<semaphore_mem>>)
      %dma_wait3A_209 = tpu.memref_slice %arg8[%mul3A_201] : memref<256xf32, #tpu.memory_space<vmem_shared>> -> memref<16xf32, #tpu.memory_space<vmem_shared>>
      %dma_wait3A_210 = tpu.memref_slice %arg8[%mul3A_201] : memref<256xf32, #tpu.memory_space<vmem_shared>> -> memref<16xf32, #tpu.memory_space<vmem_shared>>
      tpu.wait_dma2 semaphore(%run_scoped3A : memref<!tpu.dma_semaphore, #tpu.memory_space<semaphore_mem>>) src(%arg12 : memref<16xf32, #tpu.memory_space<vmem>>) dst(%dma_wait3A_210 : memref<16xf32, #tpu.memory_space<vmem_shared>>)
      tpu.yield
    }) : () -> ()
    %barrier3A_202 = arith.constant 0 : index
    tpu.barrier barrier_id(%barrier3A_202)
    %eq3A = arith.constant 0 : i32
    %eq3A_203 = arith.cmpi eq, %arg0, %eq3A : i32
    %eq3A_204 = arith.constant 0 : i32
    %eq3A_205 = arith.cmpi eq, %arg1, %eq3A_204 : i32
    %and3A = arith.andi %eq3A_203, %eq3A_205 : i1
    %convert_element_type3A = arith.extui %and3A : i1 to i32
    %cond3A = arith.constant 0 : i32
    %cond3A_206 = arith.cmpi ne, %convert_element_type3A, %cond3A : i32
    scf.if %cond3A_206 {
      "tpu.region"() ({
        %run_scoped3A = tpu.sem_alloc : memref<!tpu.dma_semaphore, #tpu.memory_space<semaphore_mem>>
        tpu.enqueue_dma source(%arg8 : memref<256xf32, #tpu.memory_space<vmem_shared>>) target(%arg9 : memref<256xf32, #tpu.memory_space<vmem>>) target_semaphore(%run_scoped3A : memref<!tpu.dma_semaphore, #tpu.memory_space<semaphore_mem>>)
        tpu.wait_dma2 semaphore(%run_scoped3A : memref<!tpu.dma_semaphore, #tpu.memory_space<semaphore_mem>>) src(%arg8 : memref<256xf32, #tpu.memory_space<vmem_shared>>) dst(%arg9 : memref<256xf32, #tpu.memory_space<vmem>>)
        tpu.yield
      }) : () -> ()
      %scan3A_207 = arith.constant 0 : i32
      %scan3A_208 = arith.constant 16 : i32
      %scan3A_209 = arith.addi %scan3A_207, %scan3A_208 : i32
      %scan3A_210 = arith.constant 1 : i32
      %scan3A_211 = scf.for %scan3A_246 = %scan3A_207 to %scan3A_209 step %scan3A_210 iter_args(%scan3A_247 = %broadcast_in_dim3A_63) -> (vector<16xf32>)  : i32 {
        %mul3A_248 = arith.constant 16 : i32
        %mul3A_249 = arith.muli %scan3A_246, %mul3A_248 : i32
        %get3A = arith.index_cast %mul3A_249 : i32 to index
        %get3A_250 = tpu.vector_load %arg9[%get3A] {strides = array<i32>} : memref<256xf32, #tpu.memory_space<vmem>>, vector<16xf32>,
        %add3A_251 = arith.addf %scan3A_247, %get3A_250 : vector<16xf32>
        scf.yield %add3A_251 : vector<16xf32>
      }
      %scan3A_212 = arith.constant 16 : i32
      %swap3A_213 = arith.constant 0 : index
      %swap3A_214 = tpu.vector_load %arg11[%swap3A_213] {strides = array<i32>} : memref<16xf32, #tpu.memory_space<vmem>>, vector<16xf32>,
      tpu.vector_store %arg11[%swap3A_213], %scan3A_211 {strides = array<i32>} : memref<16xf32, #tpu.memory_space<vmem>>, vector<16xf32>,
      %xor3A_215 = arith.constant 8 : i32
      %xor3A_216 = vector.broadcast %xor3A_215 : i32 to vector<16xi32>
      %xor3A_217 = arith.xori %iota3A, %xor3A_216 : vector<16xi32>
      %gather3A_218 = tpu.vector_load_idx %arg11[%xor3A_217] : memref<16xf32, #tpu.memory_space<vmem>>[vector<16xi32>], vector<16xf32>,
      %add3A_219 = arith.addf %scan3A_211, %gather3A_218 : vector<16xf32>
      %swap3A_220 = arith.constant 0 : index
      %swap3A_221 = tpu.vector_load %arg11[%swap3A_220] {strides = array<i32>} : memref<16xf32, #tpu.memory_space<vmem>>, vector<16xf32>,
      tpu.vector_store %arg11[%swap3A_220], %add3A_219 {strides = array<i32>} : memref<16xf32, #tpu.memory_space<vmem>>, vector<16xf32>,
      %xor3A_222 = arith.constant 4 : i32
      %xor3A_223 = vector.broadcast %xor3A_222 : i32 to vector<16xi32>
      %xor3A_224 = arith.xori %iota3A, %xor3A_223 : vector<16xi32>
      %gather3A_225 = tpu.vector_load_idx %arg11[%xor3A_224] : memref<16xf32, #tpu.memory_space<vmem>>[vector<16xi32>], vector<16xf32>,
      %add3A_226 = arith.addf %add3A_219, %gather3A_225 : vector<16xf32>
      %swap3A_227 = arith.constant 0 : index
      %swap3A_228 = tpu.vector_load %arg11[%swap3A_227] {strides = array<i32>} : memref<16xf32, #tpu.memory_space<vmem>>, vector<16xf32>,
      tpu.vector_store %arg11[%swap3A_227], %add3A_226 {strides = array<i32>} : memref<16xf32, #tpu.memory_space<vmem>>, vector<16xf32>,
      %xor3A_229 = arith.constant 2 : i32
      %xor3A_230 = vector.broadcast %xor3A_229 : i32 to vector<16xi32>
      %xor3A_231 = arith.xori %iota3A, %xor3A_230 : vector<16xi32>
      %gather3A_232 = tpu.vector_load_idx %arg11[%xor3A_231] : memref<16xf32, #tpu.memory_space<vmem>>[vector<16xi32>], vector<16xf32>,
      %add3A_233 = arith.addf %add3A_226, %gather3A_232 : vector<16xf32>
      %swap3A_234 = arith.constant 0 : index
      %swap3A_235 = tpu.vector_load %arg11[%swap3A_234] {strides = array<i32>} : memref<16xf32, #tpu.memory_space<vmem>>, vector<16xf32>,
      tpu.vector_store %arg11[%swap3A_234], %add3A_233 {strides = array<i32>} : memref<16xf32, #tpu.memory_space<vmem>>, vector<16xf32>,
      %xor3A_236 = arith.constant 1 : i32
      %xor3A_237 = vector.broadcast %xor3A_236 : i32 to vector<16xi32>
      %xor3A_238 = arith.xori %iota3A, %xor3A_237 : vector<16xi32>
      %gather3A_239 = tpu.vector_load_idx %arg11[%xor3A_238] : memref<16xf32, #tpu.memory_space<vmem>>[vector<16xi32>], vector<16xf32>,
      %add3A_240 = arith.addf %add3A_233, %gather3A_239 : vector<16xf32>
      %mul3A_241 = arith.constant 3.81469727E-6 : f32
      %mul3A_242 = vector.broadcast %mul3A_241 : f32 to vector<16xf32>
      %mul3A_243 = arith.mulf %add3A_240, %mul3A_242 : vector<16xf32>
      %swap3A_244 = arith.constant 0 : index
      %swap3A_245 = tpu.vector_load %arg12[%swap3A_244] {strides = array<i32>} : memref<16xf32, #tpu.memory_space<vmem>>, vector<16xf32>,
      tpu.vector_store %arg12[%swap3A_244], %mul3A_243 {strides = array<i32>} : memref<16xf32, #tpu.memory_space<vmem>>, vector<16xf32>,
      "tpu.region"() ({
        %run_scoped3A = tpu.sem_alloc : memref<!tpu.dma_semaphore, #tpu.memory_space<semaphore_mem>>
        %dma_start3A_246 = arith.constant 0 : i32
        %dma_start3A_247 = tpu.memref_slice %arg12[%dma_start3A_246] : memref<16xf32, #tpu.memory_space<vmem>> -> memref<1xf32, #tpu.memory_space<vmem>>
        %dma_start3A_248 = arith.constant 0 : i32
        %dma_start3A_249 = tpu.memref_slice %arg12[%dma_start3A_248] : memref<16xf32, #tpu.memory_space<vmem>> -> memref<1xf32, #tpu.memory_space<vmem>>
        tpu.enqueue_dma source(%dma_start3A_249 : memref<1xf32, #tpu.memory_space<vmem>>) target(%arg5 : memref<1xf32, #tpu.memory_space<hbm>>) target_semaphore(%run_scoped3A : memref<!tpu.dma_semaphore, #tpu.memory_space<semaphore_mem>>)
        %dma_wait3A_250 = arith.constant 0 : i32
        %dma_wait3A_251 = tpu.memref_slice %arg12[%dma_wait3A_250] : memref<16xf32, #tpu.memory_space<vmem>> -> memref<1xf32, #tpu.memory_space<vmem>>
        %dma_wait3A_252 = arith.constant 0 : i32
        %dma_wait3A_253 = tpu.memref_slice %arg12[%dma_wait3A_252] : memref<16xf32, #tpu.memory_space<vmem>> -> memref<1xf32, #tpu.memory_space<vmem>>
        tpu.wait_dma2 semaphore(%run_scoped3A : memref<!tpu.dma_semaphore, #tpu.memory_space<semaphore_mem>>) src(%dma_wait3A_253 : memref<1xf32, #tpu.memory_space<vmem>>) dst(%arg5 : memref<1xf32, #tpu.memory_space<hbm>>)
        tpu.yield
      }) : () -> ()
    } else {
    }
    return
  }
}

</mosaic_0001>

<sc_bundles>
// kernel: kernel.3.cloned.1.call-start
scs
__scs_entry_jumppad:
0x0: {  	(pc) =	sbr.rel $0x88, $3  }
0x1: {  	(tag) =	ssettag $0x0;
	lr =	simm.s32 $0x1  }
0x2: {  	[smem:$0x3F9E] =	sst lr;
	_ =	strace $0xD0000000  }
0x3: {  	_ = 	snop  }
0x4: {  	_ = 	snop  }
0x5: {  	_ = 	snop  }
0x6: {  	_ = 	snop  }
0x7: {  	_ = 	snop  }
__scs_overlays_trampoline_lowered:
0x8: {  	[smem:$0x3FAD] =	sst s0  }
0x9: {  	[smem:$0x3FAE] =	sst s1  }
0xa: {  	[smem:$0x3FAF] =	sst s2  }
0xb: {  	[smem:$0x3FB0] =	sst s3  }
0xc: {  	[smem:$0x3FB1] =	sst s4  }
0xd: {  	[smem:$0x3FB2] =	sst s5  }
0xe: {  	[smem:$0x3FB3] =	sst s6  }
0xf: {  	[smem:$0x3FB4] =	sst s7  }
0x10: {  	[smem:$0x3FB5] =	sst s8  }
0x11: {  	[smem:$0x3FB6] =	sst s9;
	s0 =	simm.s32 @!p0 $0x0  }
0x12: {  	s1 =	sld [smem:$0x3F9C];
	s0 =	simm.s32 @p0 $0x1  }
0x13: {  	[smem:$0x3FB7] =	sst s0;
	s0 =	simm.s32 @!p1 $0x0  }
0x14: {  	s2 =	sld [smem:$0x3F9B];
	s0 =	simm.s32 @p1 $0x1  }
0x15: {  	[smem:$0x3FB8] =	sst s0;
	s0 =	simm.s32 @!p2 $0x0  }
0x16: {  	s3 =	sld [smem:$0x3FDB];
	s0 =	simm.s32 @p2 $0x1  }
0x17: {  	s4 =	simm.s32 $0x1BF5;
	[smem:$0x3FBA] =	sst s0  }
0x18: {  	s0 =	sld [smem:$0x3F9D];
	_ =	swait.ge [sflag:s4], $0x0  }
0x19: {  	s7 =	sld [smem:$0x3F9E]  }
0x1a: {  	s8 =	sadd.s32 $0xFFFFE003, lr  }
0x1b: {  	s9 =	sadd.s32 $0xFFFFFEF7, lr;
	s5 =	simm.s32 $0xFFFFFFFF;
	p2 =	slt.u32 s8, $0xFFFFF086  }
0x1c: {  	p1 =	slt.u32 s9, $0xF7A;
	s5 =	simm.s32 @!p2 $0x0  }
0x1d: {  	s5 =	simm.s32 @p1 $0x1;
	p0 =	seq.s32 s7, s2  }
0x1e: {  	s7 =	smul.u32 @!p0 $0xF7A, s2;
	p2 =	seq.s32 @!p0 s5, $0x0  }
0x1f: {  	s9 =	smul.u32 $0xF7A, s1;
	s8 =	simm.s32 @!p0 $0x1BF5;
	p2 =	por !p2, p0  }
0x20: {  	[sflag:s8] =	ssyncset.s32 @!p0 $0xFFFFF086;
	s6 =	sadd.s32 @!p0 s3, s7;
	s7 =	simm.s32 @!p0 $0x108  }
0x21: {  	s3 =	sadd.s32 s3, s9;
	s6 =	sadd.s32 @!p0 $0x88, s6;
	s7 =	simm.s32 @p2 $0x1082  }
0x22: {  	[simem:s7], [sflag:s8] =	dma.local @!p0 [hbm:s6], $0xF7A  }
0x23: {  	s9 =	sor.u32 $0xD0000000, s2;
	s6 =	simm.s32 $0x108;
	_ =	swait.ge @!p0 [sflag:s8], $0x0  }
0x24: {  	s3 =	sadd.s32 $0x88, s3;
	s6 =	simm.s32 @!p1 $0x1082;
	[sflag:s4] =	ssyncset.s32 $0xFFFFF086  }
0x25: {  	[simem:s6], [sflag:s4] =	dma.local [hbm:s3], $0xF7A  }
0x26: {  	[smem:$0x3F9E] =	sst s1;
	(tag) =	ssettag s2;
	_ =	strace s9  }
0x27: {  	s1 =	sld [smem:$0x3FAE]  }
0x28: {  	s2 =	sld [smem:$0x3FAF]  }
0x29: {  	s4 =	sld [smem:$0x3FB1]  }
0x2a: {  	p0 =	seq.s32 s5, $0x0;
	s5 =	sld [smem:$0x3FB2]  }
0x2b: {  	s6 =	sld [smem:$0x3FB3]  }
0x2c: {  	s7 =	sld [smem:$0x3FB4]  }
0x2d: {  	s3 =	simm.s32 $0x108;
	s8 =	sld [smem:$0x3FB5]  }
0x2e: {  	s3 =	simm.s32 @!p0 $0x1082;
	s9 =	sld [smem:$0x3FB6]  }
0x2f: {  	lr =	sadd.s32 s0, s3;
	s0 =	sld [smem:$0x3FAD]  }
0x30: {  	s3 =	sld [smem:$0x3FB0]  }
0x31: {  	[smem:$0x3FB9] =	sst s10  }
0x32: {  	s10 =	sld [smem:$0x3FB7];
	_ =	sdelay $0x3  }
0x33: {  	p0 =	seq.s32 s10, $0x1;
	s10 =	sld [smem:$0x3FB9];
	_ =	sdelay $0x3  }
0x34: {  	[smem:$0x3FB9] =	sst s10  }
0x35: {  	s10 =	sld [smem:$0x3FB8];
	_ =	sdelay $0x3  }
0x36: {  	p1 =	seq.s32 s10, $0x1;
	s10 =	sld [smem:$0x3FB9];
	_ =	sdelay $0x3  }
0x37: {  	[smem:$0x3FB9] =	sst s10  }
0x38: {  	s10 =	sld [smem:$0x3FBA]  }
0x39: {  	_ = 	snop;
	(pc) =	sbr.ind lr, $3  }
0x3a: {  	_ = 	snop  }
0x3b: {  	_ = 	snop  }
0x3c: {  	p2 =	seq.s32 s10, $0x1;
	s10 =	sld [smem:$0x3FB9]  }
0x3d: {  	_ =	shalt  }
0x3e: {  	_ =	shalt  }
0x3f: {  	_ =	shalt  }
0x40: {  	_ =	shalt  }
0x41: {  	_ =	shalt  }
0x42: {  	_ =	shalt  }
0x43: {  	_ =	shalt  }
0x44: {  	_ =	shalt  }
0x45: {  	_ =	shalt  }
0x46: {  	_ =	shalt  }
0x47: {  	_ =	shalt  }
0x48: {  	_ =	shalt  }
0x49: {  	_ =	shalt  }
0x4a: {  	_ =	shalt  }
0x4b: {  	_ =	shalt  }
0x4c: {  	_ =	shalt  }
0x4d: {  	_ =	shalt  }
0x4e: {  	_ =	shalt  }
0x4f: {  	_ =	shalt  }
0x50: {  	_ =	shalt  }
0x51: {  	_ =	shalt  }
0x52: {  	_ =	shalt  }
0x53: {  	_ =	shalt  }
0x54: {  	_ =	shalt  }
0x55: {  	_ =	shalt  }
0x56: {  	_ =	shalt  }
0x57: {  	_ =	shalt  }
0x58: {  	_ =	shalt  }
0x59: {  	_ =	shalt  }
0x5a: {  	_ =	shalt  }
0x5b: {  	_ =	shalt  }
0x5c: {  	_ =	shalt  }
0x5d: {  	_ =	shalt  }
0x5e: {  	_ =	shalt  }
0x5f: {  	_ =	shalt  }
0x60: {  	_ =	shalt  }
0x61: {  	_ =	shalt  }
0x62: {  	_ =	shalt  }
0x63: {  	_ =	shalt  }
0x64: {  	_ =	shalt  }
0x65: {  	_ =	shalt  }
0x66: {  	_ =	shalt  }
0x67: {  	_ =	shalt  }
0x68: {  	_ =	shalt  }
0x69: {  	_ =	shalt  }
0x6a: {  	_ =	shalt  }
0x6b: {  	_ =	shalt  }
0x6c: {  	_ =	shalt  }
0x6d: {  	_ =	shalt  }
0x6e: {  	_ =	shalt  }
0x6f: {  	_ =	shalt  }
0x70: {  	_ =	shalt  }
0x71: {  	_ =	shalt  }
0x72: {  	_ =	shalt  }
0x73: {  	_ =	shalt  }
0x74: {  	_ =	shalt  }
0x75: {  	_ =	shalt  }
0x76: {  	_ =	shalt  }
0x77: {  	_ =	shalt  }
0x78: {  	_ =	shalt  }
0x79: {  	_ =	shalt  }
0x7a: {  	_ =	shalt  }
0x7b: {  	_ =	shalt  }
0x7c: {  	_ =	shalt  }
0x7d: {  	_ =	shalt  }
0x7e: {  	_ =	shalt  }
0x7f: {  	_ =	shalt  }
0x80: {  	_ =	shalt  }
0x81: {  	_ =	shalt  }
0x82: {  	_ =	shalt  }
0x83: {  	_ =	shalt  }
0x84: {  	_ =	shalt  }
0x85: {  	_ =	shalt  }
0x86: {  	_ =	shalt  }
0x87: {  	_ =	shalt  }
.Lfunc_end0:
.L_simem_size_0:
called_computation_lowered:
.L_overlay_start_0:
0x88: {  	s2 =	sld [smem:$0x3FD9]  }
0x89: {  	s3 =	sld [smem:$0x3FFE];
	_ =	sdelay $0x1  }
0x8a: {  	s1 =	srdreg.scid  }
0x8b: {  	s0 =	sand.u32 $0x1, s1  }
0x8c: {  	s18 =	sshll.u32 s0, $0xA;
	s2 =	sadd.s32 s3, s2  }
0x8d: {  	s2 =	sadd.s32 s2, s18  }
0x8e: {  	[smem:$0x3FC5] =	sst s2  }
0x8f: {  	_ = 	snop  }
0x90: {  	s2 =	sld [smem:$0x3FC9]  }
0x91: {  	s19 =	sld [smem:$0x3FC8]  }
0x92: {  	s4 =	sld [smem:$0x3FC7]  }
0x93: {  	s5 =	sld [smem:$0x3FD0];
	(tm) =	ssettm $0x1  }
0x94: {  	s6 =	sld [smem:$0x3FFB];
	_ =	sdelay $0x3  }
0x95: {  	_ =	strace s6  }
0x96: {  	s6 =	sld [smem:$0x3FFC];
	_ =	sdelay $0x3  }
0x97: {  	_ =	strace s6  }
0x98: {  	s6 =	sld [smem:$0x3FFD];
	_ =	sdelay $0x3  }
0x99: {  	_ =	strace s6  }
0x9a: {  	_ =	strace $0x8FFFFFFF  }
0x9b: {  	s20 =	sld [smem:$0x3FDB];
	_ =	sdelay $0x1  }
0x9c: {  	s7 =	simm.s32 $_scs_section_size  }
0x9d: {  	s8 =	simm.s32 $_size__tile_overlayer_lowered;
	s9 =	simm.s32 $_tile_overlayer_lowered  }
0x9e: {  	s23 =	simm.s32 $0x1BFF;
	s22 =	sshll.u32 s9, $0x1;
	s6 =	sadd.s32 s7, s20  }
0x9f: {  	s10 =	simm.s32 $0x0;
	s21 =	sshll.u32 s8, $0x1;
	s8 =	sadd.s32 s22, s6  }
0xa0: {  	[timem:s10], [sflag:s23] =	dma.local [hbm:s8], s21  }
0xa1: {  	_ =	swait.ge [sflag:s23], s21  }
0xa2: {  	s7 =	ssub.s32 $0x0, s21;
	[sflag:s23] =	ssyncset.done $0x0  }
0xa3: {  	[sflag:s23] =	ssyncadd.s32 s7;
	_ =	sdelay $0x1  }
0xa4: {  	s24 =	simm.s32 $0x1B8B  }
0xa5: {  	_ =	swait.ge [sflag:s24], $0x1  }
0xa6: {  	[sflag:s24] =	ssyncset.done $0x0  }
0xa7: {  	s25 =	simm.s32 $0x1B8E;
	[sflag:s24] =	ssyncadd.s32 $0xFFFFFFFF  }
0xa8: {  	s26 =	simm.s32 $execute0_lowered;
	[smem:$0x3FD2] =	sst s25  }
0xa9: {  	s7 =	sshll.u32 s26, $0x1;
	_ =	strace $0x80000046;
	[dreg:$0x1] =	wrdreg $0xFFFFFFFF  }
0xaa: {  	s28 =	simm.s32 $_size_execute0_lowered;
	s6 =	sadd.s32 s6, s7;
	[dreg:$0x0] =	wrdreg $0x0  }
0xab: {  	s7 =	sshll.u32 s28, $0x1;
	[dreg:$0x2] =	wrdreg s6  }
0xac: {  	[dreg:$0x3] =	wrdreg s7  }
0xad: {  	[dreg:$0x4] =	wrdreg $0xC0  }
0xae: {  	_ =	task [dreg:s10], $0x5FFFF  }
0xaf: {  	[dreg:$0x1] =	wrdreg $0xFFFFFFFF  }
0xb0: {  	[dreg:$0x0] =	wrdreg $0x60  }
0xb1: {  	[dreg:$0x2] =	wrdreg s2  }
0xb2: {  	[dreg:$0x3] =	wrdreg s19  }
0xb3: {  	[dreg:$0x4] =	wrdreg s4  }
0xb4: {  	[dreg:$0x5] =	wrdreg s5  }
0xb5: {  	[dreg:$0x6] =	wrdreg $0x80000  }
0xb6: {  	[dreg:$0x7] =	wrdreg $0x9  }
0xb7: {  	_ =	task.clear_ibuf [dreg:s10], $0x8FFFF;
	_ =	strace $0x90000046  }
0xb8: {  	s29 =	simm.s32 $0x9;
	_ =	strace $0x80000048  }
0xb9: {  	_ =	swait.ge [sflag:s29], $0x1  }
0xba: {  	[sflag:s29] =	ssyncadd.s32 $0xFFFFFFFF  }
0xbb: {  	_ =	strace $0x90000048  }
0xbc: {  	_ =	sfence  }
0xbd: {  	s30 =	sld [smem:$0x0];
	_ =	sdelay $0x2  }
0xbe: {  	s31 =	sshll.u32 s1, $0xD;
	s1 =	sshrl.u32 s1, $0x2  }
0xbf: {  	s3 =	sand.u32 $0x4000, s31;
	s1 =	sadd.s32 s1, s30  }
0xc0: {  	s0 =	sor.u32 s3, s0;
	s1 =	sshll.u32 s1, $0x11  }
0xc1: {  	s0 =	sor.u32 s1, s0  }
0xc2: {  	s0 =	sadd.s32 $0x8F2B, s0  }
0xc3: {  	[sflag:s0] =	ssyncadd.remote.s32 $0x1  }
0xc4: {  	_ =	sfence.sel $0xFFFF  }
0xc5: {  	[dreg:$0x0] =	wrdreg $0xFFFFFFFF;
	(pc) =	sbr.abs _section_cstart, $3  }
0xc6: {  	[dreg:$0x1] =	wrdreg $0xFFFFFFFF  }
0xc7: {  	_ =	task.clear_ibuf [dreg:s10], $0x2FFFF;
	_ =	strace $0x9FFFFFFF  }
0xc8: {  	(tm) =	ssettm $0x7FFFFFFF  }
0xc9: {  	_ =	shalt  }
tec
execute0_lowered:
.L_overlay_start_1:
0x0: {  	(tag) =	ssettag $0x1  }
0x1: {  	s0 =	rddreg [dreg:$0x0]  }
0x2: {  	s1 =	rddreg [dreg:$0x1]  }
0x3: {  	s3 =	rddreg [dreg:$0x4];
	s2 =	srdreg.scid  }
0x4: {  	s5 =	simm.s32 $0x0;
	s15 =	stileid.u32;
	v0 =	vimm.s32 $0xBA98FEDC;
	s20 =	simm.s32 $0x6000  }
0x5: {  	v1 =	vimm.s32 $0x32107654;
	s21 =	simm.s32 $0x3000;
	s22 =	simm.s32 $0x7000;
	s23 =	simm.s32 $0x8110  }
0x6: {  	v2 =	vimm.s32 $0xFEDCBA98;
	s24 =	simm.s32 $0x9;
	s25 =	simm.s32 $0x1;
	s28 =	simm.s32 $0x3;
	v0 =	vunpack.c.l.s4.s8 v0;
	v1 =	vunpack.c.l.s4.s8 v1  }
0x7: {  	v3 =	vimm.s32 $0x76543210;
	v4 =	vimm.s32 $0xDCFE98BA;
	v5 =	vimm.s32 $0xEFCDAB89;
	s29 =	simm.s32 $0x4;
	s30 =	simm.s32 $0x5;
	s31 =	simm.s32 $0x6  }
0x8: {  	v6 =	vimm.s32 $0x67452301;
	s16 =	simm.s32 $0x8190;
	s17 =	simm.s32 $0x0;
	s2 =	sand.u32 $0x1, s2;
	v0 =	vunpack.c.0.s8.s32 v0;
	v1 =	vunpack.c.0.s8.s32 v1  }
0x9: {  	[smem:$0x7FF] =	sst s5;
	s12 =	sshll.u32 s15, $0xB;
	s14 =	sshll.u32 s15, $0x4;
	v2 =	vunpack.c.l.s4.s8 v2;
	v5 =	vunpack.c.l.s4.s8 v5;
	v6 =	vunpack.c.l.s4.s8 v6  }
0xa: {  	s4 =	ssub.s32 $0x2, s2;
	_ =	strace $0x80000047;
	s7 =	sadd.s32 s1, s12;
	v1 =	vcombine.low v1, v0;
	v0 =	vunpack.c.l.s4.s8 v4;
	v4 =	vimm.s32 $0x54761032  }
0xb: {  	v3 =	vunpack.c.l.s4.s8 v3;
	s9 =	sor.u32 $0x200, s12;
	s11 =	sor.u32 $0x400, s12;
	s13 =	sor.u32 $0x600, s12;
	v4 =	vunpack.c.l.s4.s8 v4  }
0xc: {  	s14 =	sadd.s32 s14, s3;
	s26 =	sor.u32 s15, s2;
	s2 =	simm.s32 $0x8210;
	v2 =	vunpack.c.0.s8.s32 v2;
	v5 =	vunpack.c.0.s8.s32 v5;
	v6 =	vunpack.c.0.s8.s32 v6  }
0xd: {  	s6 =	sshrl.u32 s4, $0x1;
	s8 =	sadd.s32 s0, s9;
	s9 =	sadd.s32 s1, s9;
	v3 =	vunpack.c.0.s8.s32 v3;
	v0 =	vunpack.c.0.s8.s32 v0;
	v4 =	vunpack.c.0.s8.s32 v4  }
0xe: {  	vm0 =	vcmask $0x1F00;
	s10 =	sadd.s32 s0, s11;
	s11 =	sadd.s32 s1, s11;
	p0 =	sne.s32 s26, $0x0;
	v2 =	vand.u32 $0xF, v2;
	v5 =	vcombine.low v6, v5  }
0xf: {  	s26 =	simm.s32 $0x2;
	s4 =	ssub.s32 s4, s6;
	s6 =	sadd.s32 s0, s12;
	v4 =	vcombine.low v4, v0;
	v0 =	vcombine.low v2, v3;
	v2 =	vand.u32 $0xF, v3  }
0x10: {  	vm15 =	vcmask $0x2320;
	s12 =	sadd.s32 s0, s13;
	s13 =	sadd.s32 s1, s13;
	s0 =	simm.s32 $0x7;
	v1 =	vand.u32 $0xF, v1;
	v6 =	vnsel vm0, $0x9, v2  }
0x11: {  	s1 =	simm.s32 $0x8010;
	s15 =	smax.u32 s4, $0x1;
	s4 =	simm.s32 $0x8;
	v3 =	vand.u32 $0xF, v5;
	v2 =	vand.u32 $0xF, v4;
	v4 =	vsel vm15, $0x8, v6  }
.LBB2_1:
0x12: {  	[tilespmem:s5], [sflag:$0x1] =	stream.linear.gather [hbm4b:s6+s5], $0x1000, $0x38;
	[tilespmem:$0x8290] =	vst v63  }
0x13: {  	s18 =	simm.s32 $0x4000  }
0x14: {  	[tilespmem:s18], [sflag:$0x2] =	stream.linear.gather [hbm4b:s7+s5], $0x1000, $0x38;
	[tilespmem:$0x8290] =	vst v63  }
0x15: {  	s19 =	simm.s32 $0x1000  }
0x16: {  	[tilespmem:s19], [sflag:$0x3] =	stream.linear.gather [hbm4b:s8+s5], $0x1000, $0x38;
	[tilespmem:$0x8290] =	vst v63  }
0x17: {  	s19 =	simm.s32 $0x5000  }
0x18: {  	[tilespmem:s19], [sflag:$0x4] =	stream.linear.gather [hbm4b:s9+s5], $0x1000, $0x38;
	[tilespmem:$0x8290] =	vst v63  }
0x19: {  	s19 =	simm.s32 $0x2000  }
0x1a: {  	[tilespmem:s19], [sflag:$0x5] =	stream.linear.gather [hbm4b:s10+s5], $0x1000, $0x38;
	[tilespmem:$0x8290] =	vst v63  }
0x1b: {  	_ = 	snop  }
0x1c: {  	[tilespmem:s20], [sflag:$0x6] =	stream.linear.gather [hbm4b:s11+s5], $0x1000, $0x38;
	[tilespmem:$0x8290] =	vst v63  }
0x1d: {  	_ = 	snop  }
0x1e: {  	[tilespmem:s21], [sflag:$0x7] =	stream.linear.gather [hbm4b:s12+s5], $0x1000, $0x38;
	[tilespmem:$0x8290] =	vst v63  }
0x1f: {  	_ = 	snop  }
0x20: {  	[tilespmem:s22], [sflag:$0x8] =	stream.linear.gather [hbm4b:s13+s5], $0x1000, $0x38;
	[tilespmem:$0x8290] =	vst v63  }
0x21: {  	s19 =	rddreg [dreg:$0x2]  }
0x22: {  	[tilespmem:s23], [sflag:$0x9] =	stream.linear.gather [hbm4b:s19+s5], $0x80, $0x38;
	[tilespmem:$0x8290] =	vst v63  }
0x23: {  	_ =	swait.ge [sflag:s24], $0x80  }
0x24: {  	[sflag:s24] =	ssyncset.done $0x0  }
0x25: {  	[sflag:s24] =	ssyncadd.s32 $0xFFFFFF80  }
0x26: {  	_ =	swait.ge [sflag:s25], $0x1000  }
0x27: {  	[sflag:s25] =	ssyncset.done $0x0  }
0x28: {  	[sflag:s25] =	ssyncadd.s32 $0xFFFFF000  }
0x29: {  	_ =	swait.ge [sflag:s26], $0x1000  }
0x2a: {  	[sflag:s26] =	ssyncset.done $0x0  }
0x2b: {  	s19 =	simm.s32 $0x0;
	[sflag:s26] =	ssyncadd.s32 $0xFFFFF000  }
0x2c: {  	v5 =	vld [tilespmem:s19+$0x30]  }
0x2d: {  	v6 =	vld [tilespmem:s19+$0x4030]  }
0x2e: {  	v7 =	vld [tilespmem:s19+$0x0]  }
0x2f: {  	v8 =	vld [tilespmem:s19+$0x4000];
	_ =	sdelay $0x1  }
0x30: {  	v9 =	vld [tilespmem:s19+$0x10]  }
0x31: {  	v12 =	vld [tilespmem:s19+$0x4010]  }
0x32: {  	v10 =	vld [tilespmem:s19+$0x20];
	v5 =	vsub.f32 v5, v6  }
0x33: {  	s18 =	simm.s32 $0x40;
	v13 =	vld [tilespmem:s19+$0x4020];
	v6 =	vimm.f32 $0.0e+00;
	v14 =	vsub.f32 v7, v8;
	v7 =	vimm.f32 $0.0e+00  }
0x34: {  	v11 =	vld [tilespmem:s18+$0x30];
	s19 =	simm.s32 $0x200;
	v8 =	vimm.f32 $0.0e+00;
	v15 =	vand.u32 $0x7FFFFFFF, v5;
	v5 =	vimm.f32 $0.0e+00  }
.LBB2_2:
0x35: {  	p1 =	sne.s32 s19, $0x3F00;
	v16 =	vld [tilespmem:s18+$0x4030];
	v6 =	vmax.f32 v6, v15  }
0x36: {  	v15 =	vld [tilespmem:s18+$0x0];
	v14 =	vand.u32 $0x7FFFFFFF, v14;
	v12 =	vsub.f32 v9, v12  }
0x37: {  	v17 =	vld [tilespmem:s18+$0x4000];
	v7 =	vmax.f32 v7, v14  }
.Ltmp0:
0x38: {  	v9 =	vld [tilespmem:s18+$0x10];
	v14 =	vand.u32 $0x7FFFFFFF, v12;
	v13 =	vsub.f32 v10, v13;
	(pc) =	sbr.rel @p1 .LBB2_2-.Ltmp0, $4  }
0x39: {  	v12 =	vld [tilespmem:s18+$0x4010];
	v8 =	vmax.f32 v8, v14  }
0x3a: {  	v10 =	vld [tilespmem:s18+$0x20];
	v16 =	vsub.f32 v11, v16;
	v11 =	vand.u32 $0x7FFFFFFF, v13  }
0x3b: {  	v13 =	vld [tilespmem:s18+$0x4020];
	s18 =	sshra.s32 s19, $0x2;
	v5 =	vmax.f32 v5, v11  }
0x3c: {  	s19 =	sadd.s32 $0x100, s19;
	v11 =	vld [tilespmem:s18+$0x30];
	v14 =	vsub.f32 v15, v17;
	v15 =	vand.u32 $0x7FFFFFFF, v16  }
0x3d: {  	v16 =	vld [tilespmem:s18+$0x4030]  }
0x3e: {  	v17 =	vld [tilespmem:s18+$0x0]  }
0x3f: {  	v18 =	vld [tilespmem:s18+$0x4000]  }
0x40: {  	v19 =	vld [tilespmem:s18+$0x10]  }
0x41: {  	v20 =	vld [tilespmem:s18+$0x4010]  }
0x42: {  	v21 =	vld [tilespmem:s18+$0x20]  }
0x43: {  	v22 =	vld [tilespmem:s18+$0x4020];
	_ =	swait.ge [sflag:s28], $0x1000  }
0x44: {  	[sflag:s28] =	ssyncset.done $0x0  }
0x45: {  	[sflag:s28] =	ssyncadd.s32 $0xFFFFF000  }
0x46: {  	_ =	swait.ge [sflag:s29], $0x1000  }
0x47: {  	[sflag:s29] =	ssyncset.done $0x0  }
0x48: {  	s19 =	simm.s32 $0x0;
	[sflag:s29] =	ssyncadd.s32 $0xFFFFF000  }
0x49: {  	v9 =	vsub.f32 v9, v12;
	v12 =	vld [tilespmem:s19+$0x1030]  }
0x4a: {  	v6 =	vmax.f32 v6, v15;
	v10 =	vsub.f32 v10, v13;
	v13 =	vld [tilespmem:s19+$0x5030]  }
0x4b: {  	v14 =	vand.u32 $0x7FFFFFFF, v14;
	v9 =	vand.u32 $0x7FFFFFFF, v9;
	v11 =	vsub.f32 v11, v16;
	v15 =	vld [tilespmem:s19+$0x1000]  }
0x4c: {  	v7 =	vmax.f32 v7, v14;
	v8 =	vmax.f32 v8, v9;
	v14 =	vsub.f32 v17, v18;
	v16 =	vld [tilespmem:s19+$0x5000]  }
0x4d: {  	v10 =	vand.u32 $0x7FFFFFFF, v10;
	v17 =	vsub.f32 v19, v20;
	v9 =	vld [tilespmem:s19+$0x1010];
	v11 =	vand.u32 $0x7FFFFFFF, v11  }
0x4e: {  	v62 =	vsub.f32 v21, v22;
	v5 =	vmax.f32 v5, v10;
	v6 =	vmax.f32 v6, v11;
	v11 =	vld [tilespmem:s19+$0x5010]  }
0x4f: {  	v10 =	vld [tilespmem:s19+$0x1020];
	v14 =	vand.u32 $0x7FFFFFFF, v14;
	v17 =	vand.u32 $0x7FFFFFFF, v17;
	v63 =	vsub.f32 v12, v13  }
0x50: {  	s18 =	simm.s32 $0x40;
	v7 =	vmax.f32 v7, v14;
	v8 =	vmax.f32 v8, v17;
	v12 =	vand.u32 $0x7FFFFFFF, v62;
	v13 =	vld [tilespmem:s19+$0x5020]  }
0x51: {  	s19 =	simm.s32 $0x200;
	v14 =	vsub.f32 v15, v16;
	v5 =	vmax.f32 v5, v12;
	v12 =	vld [tilespmem:s18+$0x1030];
	v15 =	vand.u32 $0x7FFFFFFF, v63  }
.LBB2_4:
0x52: {  	p1 =	sne.s32 s19, $0x3F00;
	v16 =	vld [tilespmem:s18+$0x5030];
	v6 =	vmax.f32 v6, v15  }
0x53: {  	v15 =	vld [tilespmem:s18+$0x1000];
	v14 =	vand.u32 $0x7FFFFFFF, v14;
	v11 =	vsub.f32 v9, v11  }
0x54: {  	v17 =	vld [tilespmem:s18+$0x5000];
	v7 =	vmax.f32 v7, v14  }
.Ltmp1:
0x55: {  	v9 =	vld [tilespmem:s18+$0x1010];
	v14 =	vand.u32 $0x7FFFFFFF, v11;
	v13 =	vsub.f32 v10, v13;
	(pc) =	sbr.rel @p1 .LBB2_4-.Ltmp1, $4  }
0x56: {  	v11 =	vld [tilespmem:s18+$0x5010];
	v8 =	vmax.f32 v8, v14  }
0x57: {  	v10 =	vld [tilespmem:s18+$0x1020];
	v16 =	vsub.f32 v12, v16;
	v12 =	vand.u32 $0x7FFFFFFF, v13  }
0x58: {  	v13 =	vld [tilespmem:s18+$0x5020];
	s18 =	sshra.s32 s19, $0x2;
	v5 =	vmax.f32 v5, v12  }
0x59: {  	s19 =	sadd.s32 $0x100, s19;
	v12 =	vld [tilespmem:s18+$0x1030];
	v14 =	vsub.f32 v15, v17;
	v15 =	vand.u32 $0x7FFFFFFF, v16  }
0x5a: {  	v16 =	vld [tilespmem:s18+$0x5030]  }
0x5b: {  	v17 =	vld [tilespmem:s18+$0x1000]  }
0x5c: {  	v18 =	vld [tilespmem:s18+$0x5000]  }
0x5d: {  	v19 =	vld [tilespmem:s18+$0x1010]  }
0x5e: {  	v20 =	vld [tilespmem:s18+$0x5010]  }
0x5f: {  	v21 =	vld [tilespmem:s18+$0x1020]  }
0x60: {  	v22 =	vld [tilespmem:s18+$0x5020];
	_ =	swait.ge [sflag:s30], $0x1000  }
0x61: {  	[sflag:s30] =	ssyncset.done $0x0  }
0x62: {  	[sflag:s30] =	ssyncadd.s32 $0xFFFFF000  }
0x63: {  	_ =	swait.ge [sflag:s31], $0x1000  }
0x64: {  	[sflag:s31] =	ssyncset.done $0x0  }
0x65: {  	s19 =	simm.s32 $0x0;
	[sflag:s31] =	ssyncadd.s32 $0xFFFFF000  }
0x66: {  	v9 =	vsub.f32 v9, v11;
	v23 =	vld [tilespmem:s19+$0x2030]  }
0x67: {  	v6 =	vmax.f32 v6, v15;
	v10 =	vsub.f32 v10, v13;
	v13 =	vld [tilespmem:s19+$0x6030]  }
0x68: {  	v11 =	vand.u32 $0x7FFFFFFF, v14;
	v9 =	vand.u32 $0x7FFFFFFF, v9;
	v12 =	vsub.f32 v12, v16;
	v14 =	vld [tilespmem:s19+$0x2000]  }
0x69: {  	v7 =	vmax.f32 v7, v11;
	v8 =	vmax.f32 v8, v9;
	v15 =	vsub.f32 v17, v18;
	v16 =	vld [tilespmem:s19+$0x6000]  }
0x6a: {  	v10 =	vand.u32 $0x7FFFFFFF, v10;
	v9 =	vld [tilespmem:s19+$0x2010];
	v11 =	vand.u32 $0x7FFFFFFF, v12;
	v12 =	vsub.f32 v19, v20  }
0x6b: {  	v17 =	vsub.f32 v21, v22;
	v5 =	vmax.f32 v5, v10;
	v6 =	vmax.f32 v6, v11;
	v11 =	vld [tilespmem:s19+$0x6010]  }
0x6c: {  	v10 =	vld [tilespmem:s19+$0x2020];
	v15 =	vand.u32 $0x7FFFFFFF, v15;
	v12 =	vand.u32 $0x7FFFFFFF, v12;
	v63 =	vsub.f32 v23, v13  }
0x6d: {  	s18 =	simm.s32 $0x40;
	v7 =	vmax.f32 v7, v15;
	v8 =	vmax.f32 v8, v12;
	v12 =	vand.u32 $0x7FFFFFFF, v17;
	v13 =	vld [tilespmem:s19+$0x6020]  }
0x6e: {  	v5 =	vmax.f32 v5, v12;
	v12 =	vld [tilespmem:s18+$0x2030];
	s19 =	simm.s32 $0x200;
	v14 =	vsub.f32 v14, v16;
	v15 =	vand.u32 $0x7FFFFFFF, v63  }
.LBB2_6:
0x6f: {  	p1 =	sne.s32 s19, $0x3F00;
	v16 =	vld [tilespmem:s18+$0x6030];
	v6 =	vmax.f32 v6, v15  }
0x70: {  	v15 =	vld [tilespmem:s18+$0x2000];
	v14 =	vand.u32 $0x7FFFFFFF, v14;
	v11 =	vsub.f32 v9, v11  }
0x71: {  	v17 =	vld [tilespmem:s18+$0x6000];
	v7 =	vmax.f32 v7, v14  }
.Ltmp2:
0x72: {  	v9 =	vld [tilespmem:s18+$0x2010];
	v14 =	vand.u32 $0x7FFFFFFF, v11;
	v13 =	vsub.f32 v10, v13;
	(pc) =	sbr.rel @p1 .LBB2_6-.Ltmp2, $4  }
0x73: {  	v11 =	vld [tilespmem:s18+$0x6010];
	v8 =	vmax.f32 v8, v14  }
0x74: {  	v10 =	vld [tilespmem:s18+$0x2020];
	v16 =	vsub.f32 v12, v16;
	v12 =	vand.u32 $0x7FFFFFFF, v13  }
0x75: {  	v13 =	vld [tilespmem:s18+$0x6020];
	s18 =	sshra.s32 s19, $0x2;
	v5 =	vmax.f32 v5, v12  }
0x76: {  	s19 =	sadd.s32 $0x100, s19;
	v12 =	vld [tilespmem:s18+$0x2030];
	v14 =	vsub.f32 v15, v17;
	v15 =	vand.u32 $0x7FFFFFFF, v16  }
0x77: {  	v16 =	vld [tilespmem:s18+$0x6030]  }
0x78: {  	v17 =	vld [tilespmem:s18+$0x2000]  }
0x79: {  	v18 =	vld [tilespmem:s18+$0x6000]  }
0x7a: {  	v19 =	vld [tilespmem:s18+$0x2010]  }
0x7b: {  	v20 =	vld [tilespmem:s18+$0x6010]  }
0x7c: {  	v21 =	vld [tilespmem:s18+$0x2020]  }
0x7d: {  	v22 =	vld [tilespmem:s18+$0x6020];
	_ =	swait.ge [sflag:s0], $0x1000  }
0x7e: {  	[sflag:s0] =	ssyncset.done $0x0  }
0x7f: {  	[sflag:s0] =	ssyncadd.s32 $0xFFFFF000  }
0x80: {  	_ =	swait.ge [sflag:s4], $0x1000  }
0x81: {  	[sflag:s4] =	ssyncset.done $0x0  }
0x82: {  	s19 =	simm.s32 $0x0;
	[sflag:s4] =	ssyncadd.s32 $0xFFFFF000  }
0x83: {  	v9 =	vsub.f32 v9, v11;
	v23 =	vld [tilespmem:s19+$0x3030]  }
0x84: {  	v6 =	vmax.f32 v6, v15;
	v11 =	vand.u32 $0x7FFFFFFF, v14;
	v10 =	vsub.f32 v10, v13;
	v13 =	vld [tilespmem:s19+$0x7030]  }
0x85: {  	v7 =	vmax.f32 v7, v11;
	v9 =	vand.u32 $0x7FFFFFFF, v9;
	v12 =	vsub.f32 v12, v16;
	v14 =	vld [tilespmem:s19+$0x3000]  }
0x86: {  	v15 =	vmax.f32 v8, v9;
	v9 =	vsub.f32 v17, v18;
	v10 =	vand.u32 $0x7FFFFFFF, v10;
	v16 =	vld [tilespmem:s19+$0x7000]  }
0x87: {  	v62 =	vsub.f32 v21, v22;
	v8 =	vld [tilespmem:s19+$0x3010];
	v17 =	vmax.f32 v5, v10;
	v11 =	vand.u32 $0x7FFFFFFF, v12  }
0x88: {  	v12 =	vsub.f32 v19, v20;
	v5 =	vand.u32 $0x7FFFFFFF, v9;
	v6 =	vmax.f32 v6, v11;
	v11 =	vld [tilespmem:s19+$0x7010]  }
0x89: {  	v10 =	vld [tilespmem:s19+$0x3020];
	v9 =	vmax.f32 v7, v5;
	v7 =	vand.u32 $0x7FFFFFFF, v62;
	v63 =	vsub.f32 v23, v13  }
0x8a: {  	s18 =	simm.s32 $0x40;
	v12 =	vand.u32 $0x7FFFFFFF, v12;
	v7 =	vmax.f32 v17, v7;
	v13 =	vld [tilespmem:s19+$0x7020]  }
0x8b: {  	v5 =	vmax.f32 v15, v12;
	v12 =	vld [tilespmem:s18+$0x3030];
	s19 =	simm.s32 $0x200;
	v14 =	vsub.f32 v14, v16;
	v15 =	vand.u32 $0x7FFFFFFF, v63  }
.LBB2_8:
0x8c: {  	p1 =	sne.s32 s19, $0x3F00;
	v16 =	vld [tilespmem:s18+$0x7030];
	v6 =	vmax.f32 v6, v15  }
0x8d: {  	v15 =	vld [tilespmem:s18+$0x3000];
	v14 =	vand.u32 $0x7FFFFFFF, v14;
	v11 =	vsub.f32 v8, v11  }
0x8e: {  	v17 =	vld [tilespmem:s18+$0x7000];
	v9 =	vmax.f32 v9, v14  }
.Ltmp3:
0x8f: {  	v8 =	vld [tilespmem:s18+$0x3010];
	v14 =	vand.u32 $0x7FFFFFFF, v11;
	v13 =	vsub.f32 v10, v13;
	(pc) =	sbr.rel @p1 .LBB2_8-.Ltmp3, $4  }
0x90: {  	v11 =	vld [tilespmem:s18+$0x7010];
	v5 =	vmax.f32 v5, v14  }
0x91: {  	v10 =	vld [tilespmem:s18+$0x3020];
	v16 =	vsub.f32 v12, v16;
	v12 =	vand.u32 $0x7FFFFFFF, v13  }
0x92: {  	v13 =	vld [tilespmem:s18+$0x7020];
	s18 =	sshra.s32 s19, $0x2;
	v7 =	vmax.f32 v7, v12  }
0x93: {  	s19 =	sadd.s32 $0x100, s19;
	v12 =	vld [tilespmem:s18+$0x3030];
	v14 =	vsub.f32 v15, v17;
	v15 =	vand.u32 $0x7FFFFFFF, v16  }
0x94: {  	v16 =	vld [tilespmem:s18+$0x7030]  }
0x95: {  	v17 =	vld [tilespmem:s18+$0x3000]  }
0x96: {  	v18 =	vld [tilespmem:s18+$0x7000]  }
0x97: {  	v19 =	vld [tilespmem:s18+$0x3010]  }
0x98: {  	v20 =	vld [tilespmem:s18+$0x7010]  }
0x99: {  	v21 =	vld [tilespmem:s18+$0x3020]  }
0x9a: {  	v22 =	vld [tilespmem:s18+$0x7020]  }
0x9b: {  	v8 =	vsub.f32 v8, v11  }
0x9c: {  	v6 =	vmax.f32 v6, v15;
	v14 =	vand.u32 $0x7FFFFFFF, v14  }
0x9d: {  	v9 =	vmax.f32 v9, v14;
	v10 =	vsub.f32 v10, v13;
	v8 =	vand.u32 $0x7FFFFFFF, v8  }
0x9e: {  	v5 =	vmax.f32 v5, v8;
	v11 =	vsub.f32 v12, v16;
	v12 =	vsub.f32 v17, v18  }
0x9f: {  	v10 =	vand.u32 $0x7FFFFFFF, v10;
	v13 =	vsub.f32 v19, v20;
	v14 =	vsub.f32 v21, v22  }
0xa0: {  	v7 =	vmax.f32 v7, v10;
	v11 =	vand.u32 $0x7FFFFFFF, v11;
	v8 =	vand.u32 $0x7FFFFFFF, v12  }
0xa1: {  	v10 =	vand.u32 $0x7FFFFFFF, v13;
	v6 =	vmax.f32 v6, v11;
	v11 =	vand.u32 $0x7FFFFFFF, v14  }
0xa2: {  	v8 =	vmax.f32 v9, v8;
	v5 =	vmax.f32 v5, v10;
	v7 =	vmax.f32 v7, v11  }
0xa3: {  	v5 =	vmax.f32 v8, v5;
	v6 =	vmax.f32 v7, v6  }
0xa4: {  	v5 =	vmax.f32 v5, v6  }
0xa5: {  	[tilespmem:$0x8210] =	vst v5  }
0xa6: {  	[spmem:s14] =	stream.linear.scatter [tilespmem:s2], [sflag:$0x9], $0x10, $0x38;
	[tilespmem:$0x8290] =	vst v63  }
0xa7: {  	_ =	swait.ge [sflag:s24], $0x10  }
0xa8: {  	[sflag:s24] =	ssyncset.done $0x0  }
0xa9: {  	[sflag:s24] =	ssyncadd.s32 $0xFFFFFFF0  }
0xaa: {  	[bflag:$0x0] =	sbarrier.arrive $0xFFFF  }
0xab: {  	[tilespmem:s1], [sflag:$0x9] =	stream.linear.gather [spmem:s3], $0x100, $0x38;
	[tilespmem:$0x8290] =	vst v63  }
0xac: {  	_ =	swait.ge [sflag:s24], $0x100  }
0xad: {  	[sflag:s24] =	ssyncset.done $0x0  }
0xae: {  	[sflag:s24] =	ssyncadd.s32 $0xFFFFFF00  }
0xaf: {  	v5 =	vld [tilespmem:$0x8010]  }
0xb0: {  	v6 =	vld [tilespmem:$0x8020]  }
0xb1: {  	v7 =	vld [tilespmem:$0x8030]  }
0xb2: {  	v8 =	vld [tilespmem:$0x8040]  }
0xb3: {  	v9 =	vld [tilespmem:$0x8050]  }
0xb4: {  	v10 =	vld [tilespmem:$0x8060];
	v5 =	vmax.f32 v5, $0.0e+00  }
0xb5: {  	v5 =	vmax.f32 v5, v6;
	v6 =	vld [tilespmem:$0x8070]  }
0xb6: {  	v5 =	vmax.f32 v5, v7;
	v7 =	vld [tilespmem:$0x8080]  }
0xb7: {  	v5 =	vmax.f32 v5, v8;
	v8 =	vld [tilespmem:$0x8090]  }
0xb8: {  	v5 =	vmax.f32 v5, v9;
	v9 =	vld [tilespmem:$0x80A0]  }
0xb9: {  	v5 =	vmax.f32 v5, v10;
	v10 =	vld [tilespmem:$0x80B0]  }
0xba: {  	v5 =	vmax.f32 v5, v6;
	v6 =	vld [tilespmem:$0x80C0]  }
0xbb: {  	v5 =	vmax.f32 v5, v7;
	v7 =	vld [tilespmem:$0x80D0]  }
0xbc: {  	v5 =	vmax.f32 v5, v8;
	v8 =	vld [tilespmem:$0x80E0]  }
0xbd: {  	v5 =	vmax.f32 v5, v9;
	v9 =	vld [tilespmem:$0x80F0]  }
0xbe: {  	v5 =	vmax.f32 v5, v10;
	v10 =	vld [tilespmem:$0x8100]  }
0xbf: {  	v5 =	vmax.f32 v5, v6  }
0xc0: {  	v5 =	vmax.f32 v5, v7  }
0xc1: {  	v5 =	vmax.f32 v5, v8  }
0xc2: {  	v5 =	vmax.f32 v5, v9  }
0xc3: {  	v5 =	vmax.f32 v5, v10  }
0xc4: {  	[tilespmem:$0x8210] =	vst v5  }
0xc5: {  	v6 =	vld.idx.msk [tilespmem:v0+s2+$0x0], $0xffff;
	_ =	sdelay $0x4  }
0xc6: {  	v5 =	vmax.f32 v5, v6  }
0xc7: {  	[tilespmem:$0x8210] =	vst v5  }
0xc8: {  	v6 =	vld.idx.msk [tilespmem:v1+s2+$0x0], $0xffff;
	_ =	sdelay $0x4  }
0xc9: {  	v5 =	vmax.f32 v5, v6  }
0xca: {  	[tilespmem:$0x8210] =	vst v5  }
0xcb: {  	v6 =	vld.idx.msk [tilespmem:v2+s2+$0x0], $0xffff;
	_ =	sdelay $0x4  }
0xcc: {  	v5 =	vmax.f32 v5, v6  }
0xcd: {  	[tilespmem:$0x8210] =	vst v5  }
0xce: {  	v6 =	vld.idx.msk [tilespmem:v3+s2+$0x0], $0xffff  }
0xcf: {  	v7 =	vld.idx.msk [tilespmem:v4+s23+$0x0], $0xffff;
	_ =	sdelay $0x4  }
0xd0: {  	v5 =	vmax.f32 v5, v6;
	v6 =	vadd.f32 $9.999999970e-07, v7  }
0xd1: {  	(erf) = vrcp.f32 v5  }
0xd2: {  	(erf) = vrcp.f32 v6;
	_ =	sdelay $0x7  }
0xd3: {  	v5 =	vpop (erf)  }
0xd4: {  	v6 =	vpop (erf)  }
0xd5: {  	s19 =	simm.s32 $0x0;
	[tilespmem:$0x8190] =	vst v6  }
0xd6: {  	v6 =	vld [tilespmem:s19+$0x70]  }
0xd7: {  	v7 =	vld [tilespmem:s19+$0x4070]  }
0xd8: {  	v8 =	vld [tilespmem:s19+$0x0]  }
0xd9: {  	v9 =	vld [tilespmem:s19+$0x4000]  }
0xda: {  	v10 =	vld [tilespmem:s19+$0x10]  }
0xdb: {  	v12 =	vld [tilespmem:s19+$0x4010]  }
0xdc: {  	v13 =	vld [tilespmem:s19+$0x20]  }
0xdd: {  	v14 =	vld [tilespmem:s19+$0x30]  }
0xde: {  	v16 =	vld [tilespmem:s19+$0x40]  }
0xdf: {  	v19 =	vld [tilespmem:s19+$0x4040]  }
0xe0: {  	v6 =	vsub.f32 v6, v7;
	v7 =	vld [tilespmem:s19+$0x4020]  }
0xe1: {  	v5 =	vmul.f32 $9.000000000e+00, v5;
	v11 =	vsub.f32 v8, v9;
	v9 =	vld [tilespmem:s19+$0x4030]  }
0xe2: {  	v8 =	vand.u32 $0x7FFFFFFF, v6  }
0xe3: {  	v15 =	vsub.f32 v10, v12;
	v17 =	vand.u32 $0x7FFFFFFF, v11;
	v8 =	vmul.f32 v8, v5  }
0xe4: {  	v10 =	vmul.f32 v17, v5  }
0xe5: {  	v22 =	vld [tilespmem:s19+$0x4060];
	v19 =	vsub.f32 v16, v19;
	v20 =	vand.u32 $0x7FFFFFFF, v15;
	v8 =	vtrunc.f32 v8  }
0xe6: {  	v12 =	vld [tilespmem:s19+$0x50];
	v17 =	vsub.f32 v13, v7;
	v10 =	vtrunc.f32 v10;
	v18 =	vsub.f32 v14, v9  }
0xe7: {  	v13 =	vld [tilespmem:s19+$0x4050];
	v7 =	vimm.f32 $0.0e+00;
	v14 =	vmul.f32 v20, v5;
	v8 =	vcvt.f32.s32 v8  }
0xe8: {  	v9 =	vld [tilespmem:s19+$0x60];
	v10 =	vcvt.f32.s32 v10;
	v21 =	vand.u32 $0x7FFFFFFF, v17;
	v20 =	vand.u32 $0x7FFFFFFF, v18  }
0xe9: {  	v14 =	vtrunc.f32 v14;
	vm0 =	vgt.s32 v8, $0x0;
	v21 =	vmul.f32 v21, v5  }
0xea: {  	v16 =	vmul.f32 v20, v5;
	vm14 =	vgt.s32 v10, $0x0;
	v8 =	vnsel vm0, $0x0, v8  }
0xeb: {  	v14 =	vcvt.f32.s32 v14;
	v10 =	vnsel vm14, $0x0, v10;
	v8 =	vmin.u32 v8, $0x9  }
0xec: {  	s19 =	simm.s32 $0x80;
	v20 =	vsub.f32 v12, v13;
	v12 =	vtrunc.f32 v21;
	v13 =	vand.u32 $0x7FFFFFFF, v19  }
0xed: {  	v24 =	vld [tilespmem:s19+$0x4070];
	v16 =	vtrunc.f32 v16;
	v21 =	vsub.f32 v9, v22;
	v13 =	vmul.f32 v13, v5  }
0xee: {  	v25 =	vld [tilespmem:s19+$0x0];
	vm1 =	vgt.s32 v14, $0x0;
	v12 =	vcvt.f32.s32 v12;
	v16 =	vcvt.f32.s32 v16  }
0xef: {  	v26 =	vld [tilespmem:s19+$0x4000];
	v14 =	vnsel vm1, $0x0, v14;
	v23 =	vand.u32 $0x7FFFFFFF, v20;
	v22 =	vand.u32 $0x7FFFFFFF, v21  }
0xf0: {  	v32 =	vmin.u32 v14, $0x9;
	v9 =	vmul.f32 v23, v5;
	v23 =	vld [tilespmem:s19+$0x70];
	v22 =	vmul.f32 v22, v5  }
0xf1: {  	v31 =	vmin.u32 v10, $0x9;
	v13 =	vtrunc.f32 v13;
	vm2 =	vgt.s32 v12, $0x0;
	v8 =	vld.idx.msk [tilespmem:v8+s16+$0x0], $0xffff  }
0xf2: {  	v27 =	vld [tilespmem:s19+$0x10];
	vm15 =	vgt.s32 v16, $0x0;
	v13 =	vcvt.f32.s32 v13;
	v22 =	vtrunc.f32 v22  }
0xf3: {  	v28 =	vld [tilespmem:s19+$0x4010];
	v12 =	vnsel vm2, $0x0, v12;
	v9 =	vtrunc.f32 v9;
	v22 =	vcvt.f32.s32 v22  }
0xf4: {  	v30 =	vld [tilespmem:s19+$0x20];
	v16 =	vnsel vm15, $0x0, v16;
	v9 =	vcvt.f32.s32 v9;
	vm3 =	vgt.s32 v13, $0x0  }
0xf5: {  	v13 =	vnsel vm3, $0x0, v13;
	v32 =	vld.idx.msk [tilespmem:v32+s16+$0x0], $0xffff;
	vm8 =	vgt.s32 v22, $0x0;
	v23 =	vsub.f32 v23, v24  }
0xf6: {  	vm4 =	vgt.s32 v9, $0x0;
	v24 =	vld [tilespmem:s19+$0x4020];
	v22 =	vnsel vm8, $0x0, v22;
	v8 =	vmul.f32 v6, v8  }
0xf7: {  	v29 =	vnsel vm4, $0x0, v9;
	v9 =	vand.u32 $0x7FFFFFFF, v23;
	v22 =	vmin.u32 v22, $0x9  }
0xf8: {  	v54 =	vld [tilespmem:s19+$0x4050];
	v10 =	vmul.f32 v9, v5;
	v9 =	vsub.f32 v27, v28;
	v6 =	vmul.f32 v8, v6  }
0xf9: {  	v14 =	vld [tilespmem:s19+$0x30];
	v8 =	vsub.f32 v25, v26;
	v25 =	vmin.u32 v12, $0x9;
	v26 =	vmin.u32 v16, $0x9  }
0xfa: {  	v12 =	vld [tilespmem:s19+$0x4030];
	v32 =	vmul.f32 v15, v32;
	v33 =	vtrunc.f32 v10;
	v34 =	vand.u32 $0x7FFFFFFF, v9  }
0xfb: {  	v27 =	vld [tilespmem:s19+$0x40];
	v10 =	vsub.f32 v30, v24;
	v16 =	vand.u32 $0x7FFFFFFF, v8;
	v30 =	vcvt.f32.s32 v33  }
0xfc: {  	v28 =	vmin.u32 v13, $0x9;
	v53 =	vmul.f32 v34, v5;
	v13 =	vmul.f32 v16, v5;
	v16 =	vld [tilespmem:s19+$0x4040]  }
0xfd: {  	v36 =	vld [tilespmem:s19+$0x60];
	v29 =	vmin.u32 v29, $0x9;
	v6 =	vadd.f32 v6, v7;
	v32 =	vmul.f32 v32, v15  }
0xfe: {  	v24 =	vld [tilespmem:s19+$0x50];
	vm9 =	vgt.s32 v30, $0x0;
	v33 =	vtrunc.f32 v53;
	v35 =	vtrunc.f32 v13  }
0xff: {  	v22 =	vld.idx.msk [tilespmem:v22+s16+$0x0], $0xffff;
	v13 =	vand.u32 $0x7FFFFFFF, v10;
	v12 =	vsub.f32 v14, v12;
	v33 =	vcvt.f32.s32 v33  }
0x100: {  	v37 =	vld [tilespmem:s19+$0x4060];
	v30 =	vnsel vm9, $0x0, v30;
	v14 =	vmul.f32 v13, v5;
	v35 =	vcvt.f32.s32 v35  }
0x101: {  	v25 =	vld.idx.msk [tilespmem:v25+s16+$0x0], $0xffff;
	v38 =	vand.u32 $0x7FFFFFFF, v12;
	vm11 =	vgt.s32 v33, $0x0;
	v13 =	vsub.f32 v27, v16  }
0x102: {  	v26 =	vld.idx.msk [tilespmem:v26+s16+$0x0], $0xffff;
	v27 =	vmin.u32 v30, $0x9;
	v30 =	vtrunc.f32 v14;
	v16 =	vmul.f32 v38, v5  }
0x103: {  	v14 =	vsub.f32 v24, v54;
	vm10 =	vgt.s32 v35, $0x0;
	v33 =	vnsel vm11, $0x0, v33  }
0x104: {  	v22 =	vmul.f32 v21, v22;
	v30 =	vcvt.f32.s32 v30;
	v35 =	vnsel vm10, $0x0, v35  }
0x105: {  	v33 =	vmin.u32 v33, $0x9;
	v55 =	vand.u32 $0x7FFFFFFF, v13;
	v24 =	vtrunc.f32 v16  }
0x106: {  	v31 =	vld.idx.msk [tilespmem:v31+s16+$0x0], $0xffff;
	v57 =	vand.u32 $0x7FFFFFFF, v14;
	v16 =	vsub.f32 v36, v37;
	v25 =	vmul.f32 v17, v25  }
0x107: {  	v35 =	vmin.u32 v35, $0x9;
	v26 =	vmul.f32 v18, v26;
	v56 =	vmul.f32 v55, v5;
	v27 =	vld.idx.msk [tilespmem:v27+s16+$0x0], $0xffff  }
0x108: {  	v58 =	vmul.f32 v57, v5;
	v24 =	vcvt.f32.s32 v24;
	vm12 =	vgt.s32 v30, $0x0  }
0x109: {  	v29 =	vld.idx.msk [tilespmem:v29+s16+$0x0], $0xffff;
	v37 =	vand.u32 $0x7FFFFFFF, v16;
	v30 =	vnsel vm12, $0x0, v30;
	v25 =	vmul.f32 v25, v17  }
0x10a: {  	s19 =	simm.s32 $0x100;
	v28 =	vld.idx.msk [tilespmem:v28+s16+$0x0], $0xffff;
	v34 =	vtrunc.f32 v56;
	v36 =	vtrunc.f32 v58;
	vm13 =	vgt.s32 v24, $0x0  }
0x10b: {  	v39 =	vld [tilespmem:s19+$0x0];
	v37 =	vmul.f32 v37, v5;
	v34 =	vcvt.f32.s32 v34;
	v24 =	vnsel vm13, $0x0, v24  }
0x10c: {  	v40 =	vmin.u32 v24, $0x9;
	v24 =	vmul.f32 v11, v31;
	v31 =	vld [tilespmem:s19+$0x4000];
	v27 =	vmul.f32 v23, v27  }
0x10d: {  	v59 =	vld [tilespmem:s19+$0x70];
	v62 =	vmul.f32 v26, v18;
	v30 =	vmin.u32 v30, $0x9;
	v36 =	vcvt.f32.s32 v36  }
0x10e: {  	v37 =	vtrunc.f32 v37;
	vm14 =	vgt.s32 v34, $0x0;
	v23 =	vmul.f32 v27, v23;
	v27 =	vld [tilespmem:s19+$0x4070]  }
0x10f: {  	v60 =	vld [tilespmem:s19+$0x10];
	vm15 =	vgt.s32 v36, $0x0;
	v37 =	vcvt.f32.s32 v37;
	v34 =	vnsel vm14, $0x0, v34  }
0x110: {  	v42 =	vld [tilespmem:s19+$0x4010];
	v36 =	vnsel vm15, $0x0, v36;
	v6 =	vadd.f32 v23, v6;
	v23 =	vmul.f32 v19, v28  }
0x111: {  	v61 =	vld [tilespmem:s19+$0x4020];
	v24 =	vmul.f32 v24, v11;
	v11 =	vsub.f32 v39, v31;
	v28 =	vmul.f32 v20, v29  }
0x112: {  	v18 =	vld [tilespmem:s19+$0x30];
	vm7 =	vgt.s32 v37, $0x0;
	v41 =	vmin.u32 v34, $0x9;
	v63 =	vmul.f32 v23, v19  }
0x113: {  	v19 =	vld [tilespmem:s19+$0x4030];
	v28 =	vmul.f32 v28, v20;
	v20 =	vand.u32 $0x7FFFFFFF, v11;
	v46 =	vsub.f32 v59, v27  }
0x114: {  	v43 =	vmin.u32 v36, $0x9;
	v37 =	vnsel vm7, $0x0, v37;
	v29 =	vld [tilespmem:s19+$0x20];
	v20 =	vmul.f32 v20, v5  }
0x115: {  	v26 =	vadd.f32 v24, v7;
	v31 =	vmin.u32 v37, $0x9;
	v15 =	vand.u32 $0x7FFFFFFF, v46  }
0x116: {  	v48 =	vld [tilespmem:s19+$0x40];
	v51 =	vtrunc.f32 v20;
	v17 =	vmul.f32 v15, v5;
	v15 =	vsub.f32 v60, v42  }
0x117: {  	v49 =	vld [tilespmem:s19+$0x50];
	v27 =	vmul.f32 v22, v21;
	v22 =	vadd.f32 v32, v7;
	v54 =	vcvt.f32.s32 v51  }
0x118: {  	v21 =	vld [tilespmem:s19+$0x4040];
	v18 =	vsub.f32 v18, v19;
	v23 =	vtrunc.f32 v17;
	v24 =	vand.u32 $0x7FFFFFFF, v15  }
0x119: {  	v50 =	vld [tilespmem:s19+$0x4050];
	v17 =	vsub.f32 v29, v61;
	vm9 =	vgt.s32 v54, $0x0;
	v29 =	vcvt.f32.s32 v23  }
0x11a: {  	v52 =	vld [tilespmem:s19+$0x60];
	v24 =	vmul.f32 v24, v5;
	v23 =	vadd.f32 v25, v7;
	v25 =	vand.u32 $0x7FFFFFFF, v18  }
0x11b: {  	v45 =	vld [tilespmem:s19+$0x4060];
	v32 =	vnsel vm9, $0x0, v54;
	v19 =	vand.u32 $0x7FFFFFFF, v17;
	vm8 =	vgt.s32 v29, $0x0  }
0x11c: {  	v44 =	vtrunc.f32 v24;
	v20 =	vmul.f32 v19, v5;
	v24 =	vnsel vm8, $0x0, v29  }
0x11d: {  	v34 =	vld.idx.msk [tilespmem:v35+s16+$0x0], $0xffff;
	v19 =	vsub.f32 v48, v21;
	v21 =	vmul.f32 v25, v5;
	v29 =	vmin.u32 v24, $0x9  }
0x11e: {  	v35 =	vld.idx.msk [tilespmem:v33+s16+$0x0], $0xffff;
	v33 =	vmin.u32 v32, $0x9;
	v58 =	vcvt.f32.s32 v44;
	v53 =	vtrunc.f32 v20  }
0x11f: {  	v24 =	vadd.f32 v62, v7;
	v20 =	vsub.f32 v49, v50;
	v25 =	vand.u32 $0x7FFFFFFF, v19  }
0x120: {  	v55 =	vtrunc.f32 v21;
	v21 =	vsub.f32 v52, v45;
	v56 =	vmul.f32 v25, v5  }
0x121: {  	v25 =	vadd.f32 v63, v7;
	v59 =	vcvt.f32.s32 v53;
	v60 =	vcvt.f32.s32 v55  }
0x122: {  	vm10 =	vgt.s32 v58, $0x0;
	v57 =	vand.u32 $0x7FFFFFFF, v20;
	v61 =	vand.u32 $0x7FFFFFFF, v21;
	v29 =	vld.idx.msk [tilespmem:v29+s16+$0x0], $0xffff  }
0x123: {  	v48 =	vnsel vm10, $0x0, v58;
	v37 =	vmul.f32 v57, v5;
	v38 =	vtrunc.f32 v56  }
0x124: {  	v62 =	vmul.f32 v61, v5;
	vm11 =	vgt.s32 v59, $0x0;
	vm12 =	vgt.s32 v60, $0x0  }
0x125: {  	v36 =	vld.idx.msk [tilespmem:v30+s16+$0x0], $0xffff;
	v32 =	vmin.u32 v48, $0x9;
	v47 =	vcvt.f32.s32 v38;
	v37 =	vtrunc.f32 v37  }
0x126: {  	v39 =	vld.idx.msk [tilespmem:v43+s16+$0x0], $0xffff;
	v49 =	vnsel vm11, $0x0, v59;
	v30 =	vtrunc.f32 v62;
	v63 =	vcvt.f32.s32 v37  }
0x127: {  	vm13 =	vgt.s32 v47, $0x0;
	v37 =	vld.idx.msk [tilespmem:v40+s16+$0x0], $0xffff;
	v30 =	vcvt.f32.s32 v30;
	v29 =	vmul.f32 v46, v29  }
0x128: {  	v44 =	vnsel vm12, $0x0, v60;
	v40 =	vld.idx.msk [tilespmem:v31+s16+$0x0], $0xffff;
	v31 =	vimm.f32 $0.0e+00;
	v45 =	vnsel vm13, $0x0, v47  }
0x129: {  	s19 =	simm.s32 $0x180;
	v38 =	vld.idx.msk [tilespmem:v41+s16+$0x0], $0xffff;
	vm14 =	vgt.s32 v63, $0x0;
	vm15 =	vgt.s32 v30, $0x0;
	v29 =	vmul.f32 v29, v46  }
0x12a: {  	s18 =	simm.s32 $0x800;
	v41 =	vld [tilespmem:s19+$0x70];
	v43 =	vnsel vm14, $0x0, v63;
	v42 =	vnsel vm15, $0x0, v30;
	v30 =	vmin.u32 v49, $0x9  }
.LBB2_10:
0x12b: {  	p1 =	sne.s32 s18, $0xFE00;
	v46 =	vld [tilespmem:s19+$0x4070];
	v44 =	vmin.u32 v44, $0x9;
	v45 =	vmin.u32 v45, $0x9;
	v6 =	vadd.f32 v29, v6  }
0x12c: {  	v43 =	vmin.u32 v43, $0x9;
	v42 =	vmin.u32 v42, $0x9;
	v34 =	vmul.f32 v8, v34;
	v29 =	vld [tilespmem:s19+$0x0]  }
0x12d: {  	v35 =	vmul.f32 v9, v35;
	v36 =	vmul.f32 v10, v36;
	v7 =	vadd.f32 v28, v7;
	v47 =	vld [tilespmem:s19+$0x4000]  }
0x12e: {  	v28 =	vmul.f32 v12, v37;
	v37 =	vmul.f32 v13, v38;
	v31 =	vadd.f32 v27, v31;
	v48 =	vld [tilespmem:s19+$0x10]  }
0x12f: {  	v38 =	vmul.f32 v14, v39;
	v39 =	vmul.f32 v16, v40;
	v27 =	vld [tilespmem:s19+$0x4010]  }
0x130: {  	v34 =	vmul.f32 v34, v8;
	v35 =	vmul.f32 v35, v9;
	v8 =	vmovc v11;
	v40 =	vld [tilespmem:s19+$0x20];
	v41 =	vsub.f32 v41, v46  }
0x131: {  	v36 =	vmul.f32 v36, v10;
	v49 =	vmul.f32 v28, v12;
	v9 =	vmovc v15;
	v10 =	vmovc v17;
	v12 =	vmov v18;
	v46 =	vld [tilespmem:s19+$0x4020]  }
0x132: {  	v11 =	vsub.f32 v29, v47;
	v18 =	vld [tilespmem:s19+$0x30];
	v15 =	vand.u32 $0x7FFFFFFF, v41;
	v29 =	vmul.f32 v37, v13;
	v13 =	vmovc v19  }
0x133: {  	v28 =	vmul.f32 v38, v14;
	v14 =	vmovc v20;
	v26 =	vadd.f32 v34, v26;
	v19 =	vld [tilespmem:s19+$0x4030];
	v17 =	vmul.f32 v15, v5  }
0x134: {  	v20 =	vand.u32 $0x7FFFFFFF, v11;
	v15 =	vsub.f32 v48, v27;
	v34 =	vld [tilespmem:s19+$0x40];
	v27 =	vmul.f32 v39, v16;
	v16 =	vmovc v21  }
0x135: {  	v22 =	vadd.f32 v35, v22;
	v20 =	vmul.f32 v20, v5;
	v21 =	vld [tilespmem:s19+$0x4040];
	v37 =	vtrunc.f32 v17  }
0x136: {  	v35 =	vand.u32 $0x7FFFFFFF, v15;
	v17 =	vsub.f32 v40, v46;
	v38 =	vld [tilespmem:s19+$0x50];
	v37 =	vcvt.f32.s32 v37  }
0x137: {  	v23 =	vadd.f32 v36, v23;
	v20 =	vtrunc.f32 v20;
	v35 =	vmul.f32 v35, v5;
	v39 =	vld [tilespmem:s19+$0x4050]  }
0x138: {  	v36 =	vand.u32 $0x7FFFFFFF, v17;
	v18 =	vsub.f32 v18, v19;
	v40 =	vld [tilespmem:s19+$0x60];
	vm0 =	vgt.s32 v37, $0x0  }
0x139: {  	v46 =	vtrunc.f32 v35;
	v35 =	vmul.f32 v36, v5;
	v47 =	vld [tilespmem:s19+$0x4060];
	v36 =	vnsel vm0, $0x0, v37  }
0x13a: {  	v37 =	vand.u32 $0x7FFFFFFF, v18;
	v19 =	vsub.f32 v34, v21;
	v48 =	vmin.u32 v36, $0x9;
	v34 =	vld.idx.msk [tilespmem:v33+s16+$0x0], $0xffff  }
0x13b: {  	v24 =	vadd.f32 v49, v24;
	v33 =	vtrunc.f32 v35;
	v21 =	vmul.f32 v37, v5;
	v35 =	vld.idx.msk [tilespmem:v32+s16+$0x0], $0xffff  }
0x13c: {  	v32 =	vcvt.f32.s32 v20;
	v37 =	vand.u32 $0x7FFFFFFF, v19;
	v20 =	vsub.f32 v38, v39;
	v36 =	vld.idx.msk [tilespmem:v30+s16+$0x0], $0xffff  }
0x13d: {  	v25 =	vadd.f32 v29, v25;
	v30 =	vtrunc.f32 v21;
	v39 =	vmul.f32 v37, v5;
	v37 =	vld.idx.msk [tilespmem:v44+s16+$0x0], $0xffff  }
0x13e: {  	v29 =	vcvt.f32.s32 v46;
	v44 =	vand.u32 $0x7FFFFFFF, v20;
	v21 =	vsub.f32 v40, v47;
	v38 =	vld.idx.msk [tilespmem:v45+s16+$0x0], $0xffff  }
0x13f: {  	vm0 =	vgt.s32 v32, $0x0;
	v45 =	vtrunc.f32 v39;
	v40 =	vmul.f32 v44, v5;
	v44 =	vld.idx.msk [tilespmem:v48+s16+$0x0], $0xffff  }
0x140: {  	v33 =	vcvt.f32.s32 v33;
	v30 =	vcvt.f32.s32 v30;
	v46 =	vand.u32 $0x7FFFFFFF, v21;
	v39 =	vld.idx.msk [tilespmem:v43+s16+$0x0], $0xffff  }
0x141: {  	vm1 =	vgt.s32 v29, $0x0;
	v43 =	vtrunc.f32 v40;
	v46 =	vmul.f32 v46, v5;
	v40 =	vld.idx.msk [tilespmem:v42+s16+$0x0], $0xffff  }
0x142: {  	vm2 =	vgt.s32 v33, $0x0;
	v42 =	vcvt.f32.s32 v45;
	v43 =	vcvt.f32.s32 v43  }
0x143: {  	v32 =	vnsel vm0, $0x0, v32;
	vm0 =	vgt.s32 v30, $0x0;
	v45 =	vtrunc.f32 v46  }
.Ltmp4:
0x144: {  	vm3 =	vgt.s32 v42, $0x0;
	vm4 =	vgt.s32 v43, $0x0;
	v46 =	vcvt.f32.s32 v45;
	(pc) =	sbr.rel @p1 .LBB2_10-.Ltmp4, $4  }
0x145: {  	v47 =	vnsel vm1, $0x0, v29;
	v48 =	vnsel vm2, $0x0, v33;
	v29 =	vmul.f32 v41, v44  }
0x146: {  	v44 =	vnsel vm0, $0x0, v30;
	v45 =	vnsel vm3, $0x0, v42;
	vm0 =	vgt.s32 v46, $0x0  }
0x147: {  	s19 =	sshra.s32 s18, $0x2;
	v43 =	vnsel vm4, $0x0, v43;
	v29 =	vmul.f32 v29, v41;
	v42 =	vnsel vm0, $0x0, v46  }
0x148: {  	s18 =	sadd.s32 $0x200, s18;
	v33 =	vmin.u32 v32, $0x9;
	v32 =	vmin.u32 v47, $0x9;
	v30 =	vmin.u32 v48, $0x9;
	v41 =	vld [tilespmem:s19+$0x70]  }
0x149: {  	v46 =	vld [tilespmem:s19+$0x4070]  }
0x14a: {  	v47 =	vld [tilespmem:s19+$0x0]  }
0x14b: {  	v48 =	vld [tilespmem:s19+$0x4000]  }
0x14c: {  	v49 =	vld [tilespmem:s19+$0x10]  }
0x14d: {  	v61 =	vld [tilespmem:s19+$0x4010]  }
0x14e: {  	v62 =	vld [tilespmem:s19+$0x20]  }
0x14f: {  	v63 =	vld [tilespmem:s19+$0x4020]  }
0x150: {  	v34 =	vmul.f32 v8, v34;
	v50 =	vld [tilespmem:s19+$0x30]  }
0x151: {  	v35 =	vmul.f32 v9, v35;
	v36 =	vmul.f32 v10, v36;
	v51 =	vld [tilespmem:s19+$0x4030]  }
0x152: {  	v37 =	vmul.f32 v12, v37;
	v38 =	vmul.f32 v13, v38;
	v54 =	vld [tilespmem:s19+$0x40]  }
0x153: {  	v39 =	vmul.f32 v14, v39;
	v40 =	vmul.f32 v16, v40;
	v55 =	vld [tilespmem:s19+$0x4040]  }
0x154: {  	v28 =	vadd.f32 v28, v7;
	v57 =	vld [tilespmem:s19+$0x50];
	v8 =	vmul.f32 v34, v8;
	v9 =	vmul.f32 v35, v9  }
0x155: {  	v27 =	vadd.f32 v27, v31;
	v58 =	vld [tilespmem:s19+$0x4050];
	v10 =	vmul.f32 v36, v10;
	v12 =	vmul.f32 v37, v12  }
0x156: {  	v33 =	vld.idx.msk [tilespmem:v33+s16+$0x0], $0xffff;
	v13 =	vmul.f32 v38, v13;
	v14 =	vmul.f32 v39, v14;
	v8 =	vadd.f32 v8, v26  }
0x157: {  	v32 =	vld.idx.msk [tilespmem:v32+s16+$0x0], $0xffff;
	v16 =	vmul.f32 v40, v16;
	v9 =	vadd.f32 v9, v22;
	v10 =	vadd.f32 v10, v23  }
0x158: {  	v44 =	vmin.u32 v44, $0x9;
	v30 =	vld.idx.msk [tilespmem:v30+s16+$0x0], $0xffff;
	v12 =	vadd.f32 v12, v24;
	v13 =	vadd.f32 v13, v25  }
0x159: {  	v45 =	vmin.u32 v45, $0x9;
	v14 =	vadd.f32 v14, v28;
	v16 =	vadd.f32 v16, v27  }
0x15a: {  	v43 =	vmin.u32 v43, $0x9;
	v7 =	vsub.f32 v41, v46;
	v36 =	vsub.f32 v47, v48  }
0x15b: {  	v42 =	vmin.u32 v42, $0x9;
	v41 =	vsub.f32 v49, v61;
	v22 =	vsub.f32 v62, v63  }
0x15c: {  	v31 =	vsub.f32 v50, v51;
	v39 =	vsub.f32 v54, v55;
	v33 =	vmul.f32 v11, v33  }
0x15d: {  	v35 =	vsub.f32 v57, v58;
	v32 =	vmul.f32 v15, v32;
	v30 =	vmul.f32 v17, v30  }
0x15e: {  	v46 =	vand.u32 $0x7FFFFFFF, v7;
	v53 =	vand.u32 $0x7FFFFFFF, v36;
	v11 =	vmul.f32 v33, v11  }
0x15f: {  	v56 =	vand.u32 $0x7FFFFFFF, v41;
	v15 =	vmul.f32 v32, v15;
	v17 =	vmul.f32 v30, v17  }
0x160: {  	v60 =	vld [tilespmem:s19+$0x60];
	v59 =	vand.u32 $0x7FFFFFFF, v22;
	v52 =	vmul.f32 v46, v5;
	v26 =	vmul.f32 v53, v5  }
0x161: {  	v61 =	vld [tilespmem:s19+$0x4060];
	v62 =	vand.u32 $0x7FFFFFFF, v31;
	v34 =	vmul.f32 v56, v5;
	v23 =	vmul.f32 v59, v5  }
0x162: {  	v63 =	vand.u32 $0x7FFFFFFF, v39;
	v40 =	vmul.f32 v62, v5;
	v26 =	vtrunc.f32 v26  }
0x163: {  	v49 =	vand.u32 $0x7FFFFFFF, v35;
	v24 =	vmul.f32 v63, v5;
	v26 =	vcvt.f32.s32 v26  }
0x164: {  	v8 =	vadd.f32 v11, v8;
	v34 =	vtrunc.f32 v34;
	v23 =	vtrunc.f32 v23  }
0x165: {  	v40 =	vtrunc.f32 v40;
	v48 =	vcvt.f32.s32 v34;
	vm10 =	vgt.s32 v26, $0x0  }
0x166: {  	v37 =	vsub.f32 v60, v61;
	v24 =	vtrunc.f32 v24;
	v26 =	vnsel vm10, $0x0, v26  }
0x167: {  	v23 =	vcvt.f32.s32 v23;
	vm11 =	vgt.s32 v48, $0x0;
	v26 =	vmin.u32 v26, $0x9  }
0x168: {  	v34 =	vmul.f32 v49, v5;
	v40 =	vcvt.f32.s32 v40;
	v25 =	vnsel vm11, $0x0, v48  }
0x169: {  	v24 =	vcvt.f32.s32 v24;
	vm1 =	vgt.s32 v23, $0x0;
	v25 =	vmin.u32 v25, $0x9  }
0x16a: {  	v44 =	vld.idx.msk [tilespmem:v44+s16+$0x0], $0xffff;
	v50 =	vand.u32 $0x7FFFFFFF, v37;
	vm12 =	vgt.s32 v40, $0x0;
	v23 =	vnsel vm1, $0x0, v23  }
0x16b: {  	v45 =	vld.idx.msk [tilespmem:v45+s16+$0x0], $0xffff;
	v5 =	vmul.f32 v50, v5;
	v40 =	vnsel vm12, $0x0, v40;
	v23 =	vmin.u32 v23, $0x9  }
0x16c: {  	v34 =	vtrunc.f32 v34;
	vm13 =	vgt.s32 v24, $0x0;
	v40 =	vmin.u32 v40, $0x9;
	v26 =	vld.idx.msk [tilespmem:v26+s16+$0x0], $0xffff  }
0x16d: {  	v43 =	vld.idx.msk [tilespmem:v43+s16+$0x0], $0xffff;
	v34 =	vcvt.f32.s32 v34;
	v24 =	vnsel vm13, $0x0, v24;
	v5 =	vtrunc.f32 v5  }
0x16e: {  	v9 =	vadd.f32 v15, v9;
	v24 =	vmin.u32 v24, $0x9;
	v5 =	vcvt.f32.s32 v5;
	v25 =	vld.idx.msk [tilespmem:v25+s16+$0x0], $0xffff  }
0x16f: {  	v42 =	vld.idx.msk [tilespmem:v42+s16+$0x0], $0xffff;
	v38 =	vtrunc.f32 v52;
	v44 =	vmul.f32 v18, v44;
	vm14 =	vgt.s32 v34, $0x0  }
0x170: {  	v38 =	vcvt.f32.s32 v38;
	v34 =	vnsel vm14, $0x0, v34;
	vm15 =	vgt.s32 v5, $0x0;
	v23 =	vld.idx.msk [tilespmem:v23+s16+$0x0], $0xffff  }
0x171: {  	v34 =	vmin.u32 v34, $0x9;
	v5 =	vnsel vm15, $0x0, v5;
	v51 =	vld.idx.msk [tilespmem:v40+s16+$0x0], $0xffff;
	v26 =	vmul.f32 v36, v26  }
0x172: {  	v45 =	vmul.f32 v19, v45;
	vm0 =	vgt.s32 v38, $0x0;
	v5 =	vmin.u32 v5, $0x9  }
0x173: {  	v38 =	vnsel vm0, $0x0, v38;
	v53 =	vld.idx.msk [tilespmem:v24+s16+$0x0], $0xffff;
	v54 =	vmul.f32 v41, v25;
	v55 =	vmul.f32 v26, v36  }
0x174: {  	v52 =	vmul.f32 v20, v43;
	v56 =	vmul.f32 v21, v42;
	v38 =	vmin.u32 v38, $0x9  }
0x175: {  	v23 =	vmul.f32 v22, v23;
	v24 =	vmul.f32 v54, v41;
	v8 =	vadd.f32 v55, v8  }
0x176: {  	v10 =	vadd.f32 v17, v10;
	v18 =	vmul.f32 v44, v18;
	v57 =	vld.idx.msk [tilespmem:v34+s16+$0x0], $0xffff;
	v58 =	vmul.f32 v31, v51  }
0x177: {  	v5 =	vld.idx.msk [tilespmem:v5+s16+$0x0], $0xffff;
	v22 =	vmul.f32 v23, v22;
	v9 =	vadd.f32 v24, v9;
	v8 =	vadd.f32 $0.0e+00, v8  }
0x178: {  	v19 =	vmul.f32 v45, v19;
	v12 =	vadd.f32 v18, v12;
	v11 =	vmul.f32 v39, v53  }
0x179: {  	v59 =	vld.idx.msk [tilespmem:v38+s16+$0x0], $0xffff;
	v17 =	vmul.f32 v58, v31;
	v10 =	vadd.f32 v22, v10;
	v8 =	vadd.f32 v9, v8  }
0x17a: {  	v60 =	vmul.f32 v52, v20;
	v13 =	vadd.f32 v19, v13;
	v11 =	vmul.f32 v11, v39  }
0x17b: {  	v15 =	vmul.f32 v35, v57;
	v12 =	vadd.f32 v17, v12;
	v8 =	vadd.f32 v10, v8  }
0x17c: {  	v61 =	vmul.f32 v56, v21;
	v11 =	vadd.f32 v11, v13;
	v5 =	vmul.f32 v37, v5  }
0x17d: {  	v62 =	vmul.f32 v15, v35;
	v9 =	vadd.f32 v60, v14;
	v8 =	vadd.f32 v12, v8  }
0x17e: {  	v63 =	vmul.f32 v7, v59;
	v10 =	vadd.f32 v61, v16  }
0x17f: {  	v5 =	vmul.f32 v5, v37;
	v9 =	vadd.f32 v62, v9;
	v8 =	vadd.f32 v11, v8  }
0x180: {  	v6 =	vadd.f32 v29, v6  }
0x181: {  	v7 =	vmul.f32 v63, v7;
	v5 =	vadd.f32 v5, v10;
	v8 =	vadd.f32 v9, v8;
	_ =	sdelay $0x1  }
0x182: {  	v6 =	vadd.f32 v7, v6;
	v5 =	vadd.f32 v5, v8;
	_ =	sdelay $0x1  }
0x183: {  	v5 =	vadd.f32 v6, v5;
	_ =	sdelay $0x1  }
0x184: {  	[tilespmem:$0x8210] =	vst v5  }
0x185: {  	[spmem:s14] =	stream.linear.scatter [tilespmem:s2], [sflag:$0x9], $0x10, $0x38;
	[tilespmem:$0x8290] =	vst v63  }
0x186: {  	_ =	swait.ge [sflag:s24], $0x10  }
0x187: {  	[sflag:s24] =	ssyncset.done $0x0  }
0x188: {  	[sflag:s24] =	ssyncadd.s32 $0xFFFFFFF0  }
0x189: {  	[bflag:$0x0] =	sbarrier.arrive $0xFFFF  }
0x18a: {  	[tilespmem:s1], [sflag:$0x9] =	stream.linear.gather @!p0 [spmem:s3], $0x100, $0x38;
	[tilespmem:$0x8290] =	vst v63  }
0x18b: {  	_ =	swait.ge @!p0 [sflag:s24], $0x100  }
0x18c: {  	[sflag:s24] =	ssyncset.done @!p0 $0x0  }
0x18d: {  	[sflag:s24] =	ssyncadd.s32 @!p0 $0xFFFFFF00  }
0x18e: {  	v5 =	vld @!p0 [tilespmem:$0x8010];
	_ =	sdelay $0x1  }
0x18f: {  	v6 =	vld @!p0 [tilespmem:$0x8020];
	_ =	sdelay $0x1  }
0x190: {  	v7 =	vld @!p0 [tilespmem:$0x8030]  }
0x191: {  	v5 =	vadd.f32 @!p0 $0.0e+00, v5  }
0x192: {  	v8 =	vld @!p0 [tilespmem:$0x8040]  }
0x193: {  	v5 =	vadd.f32 @!p0 v6, v5  }
0x194: {  	v6 =	vld @!p0 [tilespmem:$0x8050]  }
0x195: {  	v5 =	vadd.f32 @!p0 v7, v5  }
0x196: {  	v7 =	vld @!p0 [tilespmem:$0x8060]  }
0x197: {  	v5 =	vadd.f32 @!p0 v8, v5  }
0x198: {  	v8 =	vld @!p0 [tilespmem:$0x8070]  }
0x199: {  	v5 =	vadd.f32 @!p0 v6, v5  }
0x19a: {  	v6 =	vld @!p0 [tilespmem:$0x8080]  }
0x19b: {  	v5 =	vadd.f32 @!p0 v7, v5  }
0x19c: {  	v7 =	vld @!p0 [tilespmem:$0x8090]  }
0x19d: {  	v5 =	vadd.f32 @!p0 v8, v5  }
0x19e: {  	v8 =	vld @!p0 [tilespmem:$0x80A0]  }
0x19f: {  	v5 =	vadd.f32 @!p0 v6, v5  }
0x1a0: {  	v6 =	vld @!p0 [tilespmem:$0x80B0]  }
0x1a1: {  	v5 =	vadd.f32 @!p0 v7, v5  }
0x1a2: {  	v7 =	vld @!p0 [tilespmem:$0x80C0]  }
0x1a3: {  	v5 =	vadd.f32 @!p0 v8, v5  }
0x1a4: {  	v8 =	vld @!p0 [tilespmem:$0x80D0]  }
0x1a5: {  	v5 =	vadd.f32 @!p0 v6, v5  }
0x1a6: {  	v6 =	vld @!p0 [tilespmem:$0x80E0]  }
0x1a7: {  	v5 =	vadd.f32 @!p0 v7, v5  }
0x1a8: {  	v7 =	vld @!p0 [tilespmem:$0x80F0]  }
0x1a9: {  	v5 =	vadd.f32 @!p0 v8, v5  }
0x1aa: {  	v8 =	vld @!p0 [tilespmem:$0x8100]  }
0x1ab: {  	v5 =	vadd.f32 @!p0 v6, v5;
	_ =	sdelay $0x1  }
0x1ac: {  	v5 =	vadd.f32 @!p0 v7, v5;
	_ =	sdelay $0x1  }
0x1ad: {  	v5 =	vadd.f32 @!p0 v8, v5;
	_ =	sdelay $0x1  }
0x1ae: {  	[tilespmem:$0x8190] =	vst @!p0 v5  }
0x1af: {  	v6 =	vld.idx.msk @!p0 [tilespmem:v0+s16+$0x0], $0xffff;
	_ =	sdelay $0x4  }
0x1b0: {  	v5 =	vadd.f32 @!p0 v6, v5;
	_ =	sdelay $0x1  }
0x1b1: {  	[tilespmem:$0x8190] =	vst @!p0 v5  }
0x1b2: {  	v6 =	vld.idx.msk @!p0 [tilespmem:v1+s16+$0x0], $0xffff;
	_ =	sdelay $0x4  }
0x1b3: {  	v5 =	vadd.f32 @!p0 v6, v5;
	_ =	sdelay $0x1  }
0x1b4: {  	[tilespmem:$0x8190] =	vst @!p0 v5  }
0x1b5: {  	v6 =	vld.idx.msk @!p0 [tilespmem:v2+s16+$0x0], $0xffff;
	_ =	sdelay $0x4  }
0x1b6: {  	v5 =	vadd.f32 @!p0 v6, v5;
	_ =	sdelay $0x1  }
0x1b7: {  	[tilespmem:$0x8190] =	vst @!p0 v5  }
0x1b8: {  	v6 =	vld.idx.msk @!p0 [tilespmem:v3+s16+$0x0], $0xffff;
	_ =	sdelay $0x4  }
0x1b9: {  	v5 =	vadd.f32 @!p0 v6, v5;
	_ =	sdelay $0x1  }
0x1ba: {  	s17 =	sadd.s32 $0x1, s17;
	v5 =	vmul.f32 @!p0 $3.814697270e-06, v5  }
0x1bb: {  	p1 =	sne.s32 s17, s15  }
.Ltmp5:
0x1bc: {  	s18 =	rddreg @!p0 [dreg:$0x3];
	[tilespmem:$0x8210] =	vst @!p0 v5;
	(pc) =	sbr.rel @p1 .LBB2_1-.Ltmp5, $4  }
0x1bd: {  	[hbm4b:s18+s5] =	stream.linear.scatter @!p0 [tilespmem:s2], [sflag:$0x9], $0x1, $0x38;
	[tilespmem:$0x8290] =	vst v63  }
0x1be: {  	_ =	swait.ge @!p0 [sflag:s24], $0x1  }
0x1bf: {  	[sflag:s24] =	ssyncset.done @!p0 $0x0  }
0x1c0: {  	[sflag:s24] =	ssyncadd.s32 @!p0 $0xFFFFFFFF  }
0x1c1: {  	_ =	sfence.sel $0x180000  }
0x1c2: {  	[bflag:$0x0] =	sbarrier.arrive $0xFFFF  }
0x1c3: {  	_ =	strace $0x90000047  }
0x1c4: {  	s0 =	stileid.u32;
	[bflag:$0x2] =	sbarrier.arrive $0xFFFF  }
0x1c5: {  	p0 =	sne.s32 s0, $0x0;
	s0 =	rddreg [dreg:$0x5]  }
0x1c6: {  	s0 =	sadd.s32 @!p0 $0x100000, s0  }
0x1c7: {  	[sflag:s0] =	ssyncadd.tile.s32 @!p0 $0x1;
	_ =	shalt  }
.Lfunc_end2:
_tile_overlayer_lowered:
.L_overlay_start_2:
0x1c8: {  	(tag) =	ssettag $0x2  }
0x1c9: {  	s0 =	rddreg [dreg:$0x0];
	s2 =	stileid.u32  }
0x1ca: {  	s1 =	rddreg [dreg:$0x1];
	p0 =	sne.s32 s2, $0x0  }
0x1cb: {  	s3 =	rddreg [dreg:$0x2];
	[bflag:$0x3] =	sbarrier.arrive $0xFFFF;
	s2 =	simm.s32 @!p0 $0x1C09  }
0x1cc: {  	[timem:s3], [sflag:s2] =	dma.local @!p0 [hbm:s0], s1  }
0x1cd: {  	s0 =	simm.s32 @!p0 $0x9  }
0x1ce: {  	_ =	swait.ge @!p0 [sflag:s0], s1  }
0x1cf: {  	s1 =	ssub.s32 @!p0 $0x0, s1;
	[sflag:s0] =	ssyncset.done @!p0 $0x0  }
0x1d0: {  	[sflag:s0] =	ssyncadd.s32 @!p0 s1  }
0x1d1: {  	[bflag:$0x3] =	sbarrier.arrive $0xFFFF  }
0x1d2: {  	_ =	shalt  }

</sc_bundles>
